<compile_context>
chip_gen: v7x
topology: tpu7x:2x2x1
jax: 0.10.2.dev20260603
libtpu: 0.0.44.dev20260713+nightly
codegen_flags: <defaults>
</compile_context>

<pallas_src>
import jax
import jax.numpy as jnp
from jax import lax
from jax.experimental import pallas as pl
from jax.experimental.pallas import tpu as pltpu
from jax.experimental.pallas import tpu_sc as plsc

N = 10000
E = 320000
NPAD = 12288
NSUB = 16
EPT = E // NSUB
NPT = NPAD // NSUB
L = 16
ROWS = NPAD // 128
RPT = ROWS // NSUB


def _sc_body(ei_hbm, logit_hbm, zeros_hbm, rows_hbm, v_hbm,
             src_buf, dst_buf, val_buf, acc_buf, acc2_buf, rfull_buf,
             rows_buf, sl2_buf, s_slice_buf, dis_slice_buf, r_slice_buf,
             out_slice_buf, sem2,
             s_sp, c_sp, r_sp):
    sid = lax.axis_index("s")
    ebase = sid * EPT
    nbase = sid * NPT

    with jax.named_scope("sc_stage1"):
        src_cp = pltpu.async_copy(ei_hbm.at[pl.ds(ebase, EPT)], src_buf,
                                  sem2)
        pltpu.sync_copy(ei_hbm.at[pl.ds(E + ebase, EPT)], dst_buf)
        pltpu.sync_copy(logit_hbm.at[pl.ds(ebase, EPT)], val_buf)
        pltpu.sync_copy(zeros_hbm, acc_buf)
        pltpu.sync_copy(zeros_hbm, acc2_buf)
        pltpu.sync_copy(rows_hbm, rows_buf)
        @pl.when(sid == 0)
        def _():
            pltpu.sync_copy(zeros_hbm, s_sp)
        @pl.when(sid == 1)
        def _():
            pltpu.sync_copy(zeros_hbm, c_sp)

    with jax.named_scope("sc_pass1"):
        @plsc.parallel_loop(0, EPT, step=L, unroll=8)
        def _(i):
            sl = pl.ds(i, L)
            ev = jnp.exp(val_buf[sl])
            di = dst_buf[sl]
            plsc.addupdate_scatter(
                acc_buf, [lax.shift_right_logical(di, 7), di & 127], ev)

    with jax.named_scope("sc_comb1"):
        plsc.subcore_barrier()
        pltpu.sync_copy(acc_buf, s_sp.at[rows_buf], add=True)
        plsc.subcore_barrier()

    with jax.named_scope("sc_rdis"):
        pltpu.sync_copy(s_sp.at[pl.ds(sid * RPT, RPT)], sl2_buf)

        def p2(c, _):
            sl = pl.ds(c * L, L)
            s = sl2_buf[lax.shift_right_logical(c, 3), pl.ds((c & 7) * L, L)]
            dis = jnp.where(s > 0.0, jnp.float32(0.70710678), jnp.float32(1.0))
            s_slice_buf[sl] = s
            dis_slice_buf[sl] = dis
            r_slice_buf[sl] = jnp.where(s > 0.0, dis / s, jnp.float32(0.0))
            return _
        lax.fori_loop(0, NPT // L, p2, None)
        pltpu.sync_copy(r_slice_buf, r_sp.at[pl.ds(nbase, NPT)])
        plsc.subcore_barrier()

    with jax.named_scope("sc_stage2"):
        pltpu.sync_copy(r_sp, rfull_buf)
        src_cp.wait()

    with jax.named_scope("sc_pass2"):
        @plsc.parallel_loop(0, EPT, step=L, unroll=8)
        def _(i):
            sl = pl.ds(i, L)
            si = src_buf[sl]
            r_d = plsc.load_gather(rfull_buf, [dst_buf[sl]])
            plsc.addupdate_scatter(
                acc2_buf, [lax.shift_right_logical(si, 7), si & 127],
                jnp.exp(val_buf[sl]) * r_d)

    with jax.named_scope("sc_comb2"):
        plsc.subcore_barrier()
        pltpu.sync_copy(acc2_buf, c_sp.at[rows_buf], add=True)
        plsc.subcore_barrier()

    with jax.named_scope("sc_finish"):
        pltpu.sync_copy(c_sp.at[pl.ds(sid * RPT, RPT)], sl2_buf)

        def p4(c, _):
            sl = pl.ds(c * L, L)
            cp = sl2_buf[lax.shift_right_logical(c, 3), pl.ds((c & 7) * L, L)]
            s = s_slice_buf[sl]
            inv_deg = jnp.where(s > 0.0, jnp.float32(0.5), jnp.float32(1.0))
            vv = cp * dis_slice_buf[sl] + inv_deg
            absn = nbase + c * L + lax.iota(jnp.int32, L)
            out_slice_buf[sl] = jnp.where(absn < N, vv, jnp.float32(0.0))
            return _
        lax.fori_loop(0, NPT // L, p4, None)

        pltpu.sync_copy(out_slice_buf, v_hbm.at[pl.ds(nbase, NPT)])


def _node_weights(ei_flat, logits, interpret=False):
    zeros = jnp.zeros((ROWS, 128), jnp.float32)
    rows = jnp.arange(ROWS, dtype=jnp.int32)
    mesh = plsc.VectorSubcoreMesh(core_axis_name="c", subcore_axis_name="s",
                                  num_cores=1, num_subcores=NSUB)
    f = pl.kernel(
        _sc_body,
        out_type=jax.ShapeDtypeStruct((NPAD,), jnp.float32),
        mesh=mesh,
        scratch_types=[
            pltpu.VMEM((EPT,), jnp.int32),
            pltpu.VMEM((EPT,), jnp.int32),
            pltpu.VMEM((EPT,), jnp.float32),
            pltpu.VMEM((ROWS, 128), jnp.float32),
            pltpu.VMEM((ROWS, 128), jnp.float32),
            pltpu.VMEM((NPAD,), jnp.float32),
            pltpu.VMEM((ROWS,), jnp.int32),
            pltpu.VMEM((RPT, 128), jnp.float32),
            pltpu.VMEM((NPT,), jnp.float32),
            pltpu.VMEM((NPT,), jnp.float32),
            pltpu.VMEM((NPT,), jnp.float32),
            pltpu.VMEM((NPT,), jnp.float32),
            pltpu.SemaphoreType.DMA,
            pltpu.VMEM_SHARED((ROWS, 128), jnp.float32),
            pltpu.VMEM_SHARED((ROWS, 128), jnp.float32),
            pltpu.VMEM_SHARED((NPAD,), jnp.float32),
        ],
        compiler_params=pltpu.CompilerParams(needs_layout_passes=False),
        interpret=interpret,
    )
    return f(ei_flat, logits, zeros, rows)


def _tc_body(v_ref, x_ref, z_ref, W1_ref, b1_ref, W2_ref, b2_ref,
             Wg_ref, bg_ref, Wa1_ref, Wa2_ref, ba_ref, out_ref):
    v = lax.slice(v_ref[...], (0, 0), (1, N))
    vx = jnp.dot(v, x_ref[...])
    gm = jnp.dot(vx * jnp.float32(1.0 / N), Wg_ref[...]) + bg_ref[...]
    h = jnp.maximum(jnp.dot(z_ref[...], W1_ref[...]) + b1_ref[...], 0.0)
    z2 = jnp.dot(h, W2_ref[...]) + b2_ref[...]
    head = jnp.dot(gm, Wa2_ref[...]) + ba_ref[...]
    out_ref[...] = jnp.dot(z2, Wa1_ref[...]) + head


def _dense(v, x, z, W1, b1, W2, b2, Wg, bg, Wa, ba, interpret=False):
    B = z.shape[0]
    f = pl.pallas_call(
        _tc_body,
        out_shape=jax.ShapeDtypeStruct((B, 128), jnp.float32),
        interpret=interpret,
    )
    return f(v.reshape(1, NPAD), x, z,
             W1, b1.reshape(1, -1), W2, b2.reshape(1, -1),
             Wg, bg.reshape(1, -1),
             Wa[:128], Wa[128:], ba.reshape(1, -1))


@jax.jit
def kernel(z, x, edge_index, edge_weight_logits, W1, b1, W2, b2, Wg, bg,
           Wa, ba):
    ei_flat = edge_index.astype(jnp.int32).reshape(2 * E)
    v = _node_weights(ei_flat, edge_weight_logits)
    return _dense(v, x, z, W1, b1, W2, b2, Wg, bg, Wa, ba)

# --- scband reference (transcript-rebuilt; emitter-appended) ---
"""Pipeline reference for scband-gvciencoder-12541304504445 (READ-ONLY COPY).

The authoritative reference and input builder live on the scoring server;
editing this copy changes nothing except your own understanding.
"""

import jax, jax.numpy as jnp
import numpy as np

N = 10000
E = 320000
B = 1024


def segment_softmax(logits, seg, num_segments):
    m = jax.ops.segment_max(logits, seg, num_segments=num_segments)
    e = jnp.exp(logits - m[seg])
    s = jax.ops.segment_sum(e, seg, num_segments=num_segments)
    return e / s[seg]


def gcn_layer(x, src, dst, w, Wg, bg, n):
    loop = jnp.arange(n, dtype=src.dtype)
    src_a = jnp.concatenate([src, loop])
    dst_a = jnp.concatenate([dst, loop])
    w_a = jnp.concatenate([w, jnp.ones((n,), w.dtype)])  # add_self_loops=True
    deg = jax.ops.segment_sum(w_a, dst_a, num_segments=n)
    dis = jax.lax.rsqrt(jnp.maximum(deg, 1e-12))
    norm = dis[src_a] * w_a * dis[dst_a]
    msg = x[src_a] * norm[:, None]
    agg = jax.ops.segment_sum(msg, dst_a, num_segments=n)
    return agg @ Wg + bg


def setup_inputs(seed: int = 0) -> dict:
    key = jax.random.key(seed)
    ks = jax.random.split(key, 12)
    z = jax.random.normal(ks[0], (B, 128), jnp.float32)
    x = jax.random.normal(ks[1], (N, 128), jnp.float32)
    edge_index = jax.random.randint(ks[2], (2, E), 0, N)
    edge_weight_logits = jax.random.normal(ks[3], (E,), jnp.float32)
    # MLP encoder params (mlp_sizes = [128, 256, 128])
    W1 = jax.random.normal(ks[4], (128, 256), jnp.float32) * 0.05
    b1 = jnp.zeros((256,), jnp.float32)
    W2 = jax.random.normal(ks[5], (256, 128), jnp.float32) * 0.05
    b2 = jnp.zeros((128,), jnp.float32)
    # GCN params (gnn_sizes = [128, 128], single layer)
    Wg = jax.random.normal(ks[6], (128, 128), jnp.float32) * 0.05
    bg = jnp.zeros((128,), jnp.float32)
    # GraphAggrMLP params: input gnn_out + mlp_out = 256 -> output mlp_out*heads = 128*1
    Wa = jax.random.normal(ks[7], (256, 128), jnp.float32) * 0.05
    ba = jnp.zeros((128,), jnp.float32)
    return {"z": z, "x": x, "edge_index": edge_index,
            "edge_weight_logits": edge_weight_logits,
            "W1": W1, "b1": b1, "W2": W2, "b2": b2,
            "Wg": Wg, "bg": bg, "Wa": Wa, "ba": ba}


def reference(z, x, edge_index, edge_weight_logits, W1, b1, W2, b2, Wg, bg, Wa, ba):
    # encoder MLP: relu between layers, no final act
    h = jax.nn.relu(z @ W1 + b1)
    z2 = h @ W2 + b2
    # sparse GCN with per-dst softmax edge weights, final_act=None
    src = edge_index[0]
    dst = edge_index[1]
    w = segment_softmax(edge_weight_logits, dst, N)
    g = gcn_layer(x, src, dst, w, Wg, bg, N)
    # aggregate: concat(z, mean over nodes of g) -> MLP head, aggr_heads=1, squeeze(-1)
    gm = jnp.mean(g, axis=0)
    cat = jnp.concatenate([z2, jnp.broadcast_to(gm[None, :], (z2.shape[0], gm.shape[0]))], axis=1)
    out = cat @ Wa + ba
    out = out.reshape(out.shape[0], 128, 1).squeeze(-1)
    return out

if __name__ == "__main__":
    import jax
    _d = setup_inputs()
    print(jax.jit(kernel)(*tuple(_d.values())))

</pallas_src>

<mosaic_0001>
#map = affine_map<(d0, d1) -> (0)>
#map1 = affine_map<(d0, d1) -> (0, 0)>
module attributes {stable_mosaic.version = 14 : i64} {
  func.func @_sc_body(%arg0: i32, %arg1: i32, %arg2: memref<640000xi32, #tpu.memory_space<hbm>>, %arg3: memref<320000xf32, #tpu.memory_space<hbm>>, %arg4: memref<96x128xf32, #tpu.memory_space<hbm>>, %arg5: memref<96xi32, #tpu.memory_space<hbm>>, %arg6: memref<12288xf32, #tpu.memory_space<hbm>>, %arg7: memref<20000xi32, #tpu.memory_space<vmem>>, %arg8: memref<20000xi32, #tpu.memory_space<vmem>>, %arg9: memref<20000xf32, #tpu.memory_space<vmem>>, %arg10: memref<96x128xf32, #tpu.memory_space<vmem>>, %arg11: memref<96x128xf32, #tpu.memory_space<vmem>>, %arg12: memref<12288xf32, #tpu.memory_space<vmem>>, %arg13: memref<96xi32, #tpu.memory_space<vmem>>, %arg14: memref<6x128xf32, #tpu.memory_space<vmem>>, %arg15: memref<768xf32, #tpu.memory_space<vmem>>, %arg16: memref<768xf32, #tpu.memory_space<vmem>>, %arg17: memref<768xf32, #tpu.memory_space<vmem>>, %arg18: memref<768xf32, #tpu.memory_space<vmem>>, %arg19: memref<!tpu.dma_semaphore, #tpu.memory_space<semaphore_mem>>, %arg20: memref<96x128xf32, #tpu.memory_space<vmem_shared>>, %arg21: memref<96x128xf32, #tpu.memory_space<vmem_shared>>, %arg22: memref<12288xf32, #tpu.memory_space<vmem_shared>>) attributes {dimension_semantics = [#tpu.dimension_semantics<core_parallel>, #tpu.dimension_semantics<subcore_parallel>], iteration_bounds = array<i64: 1, 16>, scalar_prefetch = 0 : i64, scratch_operands = 16 : i64, tpu.core_type = #tpu.core_type<sc_vector_subcore>, window_params = [{transform_indices = #map}, {transform_indices = #map}, {transform_indices = #map1}, {transform_indices = #map}, {transform_indices = #map}]} {
    %mul3A = arith.constant 20000 : i32
    %mul3A_0 = arith.muli %arg1, %mul3A : i32
    %mul3A_1 = arith.constant 768 : i32
    %mul3A_2 = arith.muli %arg1, %mul3A_1 : i32
    "tpu.trace_start"() <{level = 10 : i32, message = "sc_stage1"}> : () -> ()
    %dma_start3A = tpu.memref_slice %arg2[%mul3A_0] : memref<640000xi32, #tpu.memory_space<hbm>> -> memref<20000xi32, #tpu.memory_space<hbm>>
    %dma_start3A_3 = tpu.memref_slice %arg2[%mul3A_0] : memref<640000xi32, #tpu.memory_space<hbm>> -> memref<20000xi32, #tpu.memory_space<hbm>>
    tpu.enqueue_dma source(%dma_start3A_3 : memref<20000xi32, #tpu.memory_space<hbm>>) target(%arg7 : memref<20000xi32, #tpu.memory_space<vmem>>) target_semaphore(%arg19 : memref<!tpu.dma_semaphore, #tpu.memory_space<semaphore_mem>>)
    %add3A = arith.constant 320000 : i32
    %add3A_4 = arith.addi %add3A, %mul3A_0 : i32
    "tpu.region"() ({
      %run_scoped3A = tpu.sem_alloc : memref<!tpu.dma_semaphore, #tpu.memory_space<semaphore_mem>>
      %dma_start3A_35 = tpu.memref_slice %arg2[%add3A_4] : memref<640000xi32, #tpu.memory_space<hbm>> -> memref<20000xi32, #tpu.memory_space<hbm>>
      %dma_start3A_36 = tpu.memref_slice %arg2[%add3A_4] : memref<640000xi32, #tpu.memory_space<hbm>> -> memref<20000xi32, #tpu.memory_space<hbm>>
      tpu.enqueue_dma source(%dma_start3A_36 : memref<20000xi32, #tpu.memory_space<hbm>>) target(%arg8 : memref<20000xi32, #tpu.memory_space<vmem>>) target_semaphore(%run_scoped3A : memref<!tpu.dma_semaphore, #tpu.memory_space<semaphore_mem>>)
      %dma_wait3A_37 = tpu.memref_slice %arg2[%add3A_4] : memref<640000xi32, #tpu.memory_space<hbm>> -> memref<20000xi32, #tpu.memory_space<hbm>>
      %dma_wait3A_38 = tpu.memref_slice %arg2[%add3A_4] : memref<640000xi32, #tpu.memory_space<hbm>> -> memref<20000xi32, #tpu.memory_space<hbm>>
      tpu.wait_dma2 semaphore(%run_scoped3A : memref<!tpu.dma_semaphore, #tpu.memory_space<semaphore_mem>>) src(%dma_wait3A_38 : memref<20000xi32, #tpu.memory_space<hbm>>) dst(%arg8 : memref<20000xi32, #tpu.memory_space<vmem>>)
      tpu.yield
    }) : () -> ()
    "tpu.region"() ({
      %run_scoped3A = tpu.sem_alloc : memref<!tpu.dma_semaphore, #tpu.memory_space<semaphore_mem>>
      %dma_start3A_35 = tpu.memref_slice %arg3[%mul3A_0] : memref<320000xf32, #tpu.memory_space<hbm>> -> memref<20000xf32, #tpu.memory_space<hbm>>
      %dma_start3A_36 = tpu.memref_slice %arg3[%mul3A_0] : memref<320000xf32, #tpu.memory_space<hbm>> -> memref<20000xf32, #tpu.memory_space<hbm>>
      tpu.enqueue_dma source(%dma_start3A_36 : memref<20000xf32, #tpu.memory_space<hbm>>) target(%arg9 : memref<20000xf32, #tpu.memory_space<vmem>>) target_semaphore(%run_scoped3A : memref<!tpu.dma_semaphore, #tpu.memory_space<semaphore_mem>>)
      %dma_wait3A_37 = tpu.memref_slice %arg3[%mul3A_0] : memref<320000xf32, #tpu.memory_space<hbm>> -> memref<20000xf32, #tpu.memory_space<hbm>>
      %dma_wait3A_38 = tpu.memref_slice %arg3[%mul3A_0] : memref<320000xf32, #tpu.memory_space<hbm>> -> memref<20000xf32, #tpu.memory_space<hbm>>
      tpu.wait_dma2 semaphore(%run_scoped3A : memref<!tpu.dma_semaphore, #tpu.memory_space<semaphore_mem>>) src(%dma_wait3A_38 : memref<20000xf32, #tpu.memory_space<hbm>>) dst(%arg9 : memref<20000xf32, #tpu.memory_space<vmem>>)
      tpu.yield
    }) : () -> ()
    "tpu.region"() ({
      %run_scoped3A = tpu.sem_alloc : memref<!tpu.dma_semaphore, #tpu.memory_space<semaphore_mem>>
      tpu.enqueue_dma source(%arg4 : memref<96x128xf32, #tpu.memory_space<hbm>>) target(%arg10 : memref<96x128xf32, #tpu.memory_space<vmem>>) target_semaphore(%run_scoped3A : memref<!tpu.dma_semaphore, #tpu.memory_space<semaphore_mem>>)
      tpu.wait_dma2 semaphore(%run_scoped3A : memref<!tpu.dma_semaphore, #tpu.memory_space<semaphore_mem>>) src(%arg4 : memref<96x128xf32, #tpu.memory_space<hbm>>) dst(%arg10 : memref<96x128xf32, #tpu.memory_space<vmem>>)
      tpu.yield
    }) : () -> ()
    "tpu.region"() ({
      %run_scoped3A = tpu.sem_alloc : memref<!tpu.dma_semaphore, #tpu.memory_space<semaphore_mem>>
      tpu.enqueue_dma source(%arg4 : memref<96x128xf32, #tpu.memory_space<hbm>>) target(%arg11 : memref<96x128xf32, #tpu.memory_space<vmem>>) target_semaphore(%run_scoped3A : memref<!tpu.dma_semaphore, #tpu.memory_space<semaphore_mem>>)
      tpu.wait_dma2 semaphore(%run_scoped3A : memref<!tpu.dma_semaphore, #tpu.memory_space<semaphore_mem>>) src(%arg4 : memref<96x128xf32, #tpu.memory_space<hbm>>) dst(%arg11 : memref<96x128xf32, #tpu.memory_space<vmem>>)
      tpu.yield
    }) : () -> ()
    "tpu.region"() ({
      %run_scoped3A = tpu.sem_alloc : memref<!tpu.dma_semaphore, #tpu.memory_space<semaphore_mem>>
      tpu.enqueue_dma source(%arg5 : memref<96xi32, #tpu.memory_space<hbm>>) target(%arg13 : memref<96xi32, #tpu.memory_space<vmem>>) target_semaphore(%run_scoped3A : memref<!tpu.dma_semaphore, #tpu.memory_space<semaphore_mem>>)
      tpu.wait_dma2 semaphore(%run_scoped3A : memref<!tpu.dma_semaphore, #tpu.memory_space<semaphore_mem>>) src(%arg5 : memref<96xi32, #tpu.memory_space<hbm>>) dst(%arg13 : memref<96xi32, #tpu.memory_space<vmem>>)
      tpu.yield
    }) : () -> ()
    %eq3A = arith.constant 0 : i32
    %eq3A_5 = arith.cmpi eq, %arg1, %eq3A : i32
    %convert_element_type3A = arith.extui %eq3A_5 : i1 to i32
    %cond3A = arith.constant 0 : i32
    %cond3A_6 = arith.cmpi ne, %convert_element_type3A, %cond3A : i32
    scf.if %cond3A_6 {
      "tpu.region"() ({
        %run_scoped3A = tpu.sem_alloc : memref<!tpu.dma_semaphore, #tpu.memory_space<semaphore_mem>>
        tpu.enqueue_dma source(%arg4 : memref<96x128xf32, #tpu.memory_space<hbm>>) target(%arg20 : memref<96x128xf32, #tpu.memory_space<vmem_shared>>) target_semaphore(%run_scoped3A : memref<!tpu.dma_semaphore, #tpu.memory_space<semaphore_mem>>)
        tpu.wait_dma2 semaphore(%run_scoped3A : memref<!tpu.dma_semaphore, #tpu.memory_space<semaphore_mem>>) src(%arg4 : memref<96x128xf32, #tpu.memory_space<hbm>>) dst(%arg20 : memref<96x128xf32, #tpu.memory_space<vmem_shared>>)
        tpu.yield
      }) : () -> ()
    } else {
    }
    %eq3A_7 = arith.constant 1 : i32
    %eq3A_8 = arith.cmpi eq, %arg1, %eq3A_7 : i32
    %convert_element_type3A_9 = arith.extui %eq3A_8 : i1 to i32
    %cond3A_10 = arith.constant 0 : i32
    %cond3A_11 = arith.cmpi ne, %convert_element_type3A_9, %cond3A_10 : i32
    scf.if %cond3A_11 {
      "tpu.region"() ({
        %run_scoped3A = tpu.sem_alloc : memref<!tpu.dma_semaphore, #tpu.memory_space<semaphore_mem>>
        tpu.enqueue_dma source(%arg4 : memref<96x128xf32, #tpu.memory_space<hbm>>) target(%arg21 : memref<96x128xf32, #tpu.memory_space<vmem_shared>>) target_semaphore(%run_scoped3A : memref<!tpu.dma_semaphore, #tpu.memory_space<semaphore_mem>>)
        tpu.wait_dma2 semaphore(%run_scoped3A : memref<!tpu.dma_semaphore, #tpu.memory_space<semaphore_mem>>) src(%arg4 : memref<96x128xf32, #tpu.memory_space<hbm>>) dst(%arg21 : memref<96x128xf32, #tpu.memory_space<vmem_shared>>)
        tpu.yield
      }) : () -> ()
    } else {
    }
    %parallel_loop3A = arith.constant 0 : i32
    %parallel_loop3A_12 = arith.constant 20000 : i32
    %parallel_loop3A_13 = arith.constant 16 : i32
    "tpu.trace_stop"() : () -> ()
    "tpu.trace_start"() <{level = 10 : i32, message = "sc_pass1"}> : () -> ()
    scf.for %parallel_loop3A_35 = %parallel_loop3A to %parallel_loop3A_12 step %parallel_loop3A_13  : i32 {
      %parallel_loop3A_36 = arith.index_cast %parallel_loop3A_35 : i32 to index
      %parallel_loop3A_37 = tpu.vector_load %arg9[%parallel_loop3A_36] {strides = array<i32>} : memref<20000xf32, #tpu.memory_space<vmem>>, vector<16xf32>,
      %parallel_loop3A_38 = math.exp %parallel_loop3A_37 : vector<16xf32>
      %parallel_loop3A_39 = arith.index_cast %parallel_loop3A_35 : i32 to index
      %parallel_loop3A_40 = tpu.vector_load %arg8[%parallel_loop3A_39] {strides = array<i32>} : memref<20000xi32, #tpu.memory_space<vmem>>, vector<16xi32>,
      %parallel_loop3A_41 = arith.constant 7 : i32
      %parallel_loop3A_42 = vector.broadcast %parallel_loop3A_41 : i32 to vector<16xi32>
      %parallel_loop3A_43 = arith.shrui %parallel_loop3A_40, %parallel_loop3A_42 : vector<16xi32>
      %parallel_loop3A_44 = arith.constant 127 : i32
      %parallel_loop3A_45 = vector.broadcast %parallel_loop3A_44 : i32 to vector<16xi32>
      %parallel_loop3A_46 = arith.andi %parallel_loop3A_40, %parallel_loop3A_45 : vector<16xi32>
      tpu.vector_store_idx %arg10[%parallel_loop3A_43, %parallel_loop3A_46], %parallel_loop3A_38 {add = true} : memref<96x128xf32, #tpu.memory_space<vmem>>[vector<16xi32>, vector<16xi32>], vector<16xf32>,
    } {sc.loop_unroll_factor = 8 : i64, sc.parallel_access}
    "tpu.trace_stop"() : () -> ()
    "tpu.trace_start"() <{level = 10 : i32, message = "sc_comb1"}> : () -> ()
    %barrier3A = arith.constant 0 : index
    tpu.barrier barrier_id(%barrier3A)
    "tpu.region"() ({
      %run_scoped3A = tpu.sem_alloc : memref<!tpu.dma_semaphore, #tpu.memory_space<semaphore_mem>>
      %dma_start3A_35 = arith.constant 0 : i32
      %dma_start3A_36 = arith.constant 0 : i32
      %dma_start3A_37 = tpu.memref_slice %arg20[%dma_start3A_35, %dma_start3A_36] : memref<96x128xf32, #tpu.memory_space<vmem_shared>> -> memref<96x128xf32, #tpu.memory_space<vmem_shared>>
      tpu.enqueue_indirect_dma source(%arg10 : memref<96x128xf32, #tpu.memory_space<vmem>>) target(%dma_start3A_37 : memref<96x128xf32, #tpu.memory_space<vmem_shared>>) offsets(%arg13 : memref<96xi32, #tpu.memory_space<vmem>>) semaphore(%run_scoped3A : memref<!tpu.dma_semaphore, #tpu.memory_space<semaphore_mem>>) {add = true}
      %dma_wait3A_38 = arith.constant 0 : i32
      %dma_wait3A_39 = arith.constant 0 : i32
      %dma_wait3A_40 = tpu.memref_slice %arg20[%dma_wait3A_38, %dma_wait3A_39] : memref<96x128xf32, #tpu.memory_space<vmem_shared>> -> memref<96x128xf32, #tpu.memory_space<vmem_shared>>
      tpu.wait_indirect_dma semaphore(%run_scoped3A : memref<!tpu.dma_semaphore, #tpu.memory_space<semaphore_mem>>) src(%arg10 : memref<96x128xf32, #tpu.memory_space<vmem>>) dst(%dma_wait3A_40 : memref<96x128xf32, #tpu.memory_space<vmem_shared>>)
      tpu.yield
    }) : () -> ()
    %barrier3A_14 = arith.constant 0 : index
    tpu.barrier barrier_id(%barrier3A_14)
    "tpu.trace_stop"() : () -> ()
    "tpu.trace_start"() <{level = 10 : i32, message = "sc_rdis"}> : () -> ()
    %mul3A_15 = arith.constant 6 : i32
    %mul3A_16 = arith.muli %arg1, %mul3A_15 : i32
    "tpu.region"() ({
      %run_scoped3A = tpu.sem_alloc : memref<!tpu.dma_semaphore, #tpu.memory_space<semaphore_mem>>
      %dma_start3A_35 = arith.constant 0 : i32
      %dma_start3A_36 = tpu.memref_slice %arg20[%mul3A_16, %dma_start3A_35] : memref<96x128xf32, #tpu.memory_space<vmem_shared>> -> memref<6x128xf32, #tpu.memory_space<vmem_shared>>
      %dma_start3A_37 = arith.constant 0 : i32
      %dma_start3A_38 = tpu.memref_slice %arg20[%mul3A_16, %dma_start3A_37] : memref<96x128xf32, #tpu.memory_space<vmem_shared>> -> memref<6x128xf32, #tpu.memory_space<vmem_shared>>
      tpu.enqueue_dma source(%dma_start3A_38 : memref<6x128xf32, #tpu.memory_space<vmem_shared>>) target(%arg14 : memref<6x128xf32, #tpu.memory_space<vmem>>) target_semaphore(%run_scoped3A : memref<!tpu.dma_semaphore, #tpu.memory_space<semaphore_mem>>)
      %dma_wait3A_39 = arith.constant 0 : i32
      %dma_wait3A_40 = tpu.memref_slice %arg20[%mul3A_16, %dma_wait3A_39] : memref<96x128xf32, #tpu.memory_space<vmem_shared>> -> memref<6x128xf32, #tpu.memory_space<vmem_shared>>
      %dma_wait3A_41 = arith.constant 0 : i32
      %dma_wait3A_42 = tpu.memref_slice %arg20[%mul3A_16, %dma_wait3A_41] : memref<96x128xf32, #tpu.memory_space<vmem_shared>> -> memref<6x128xf32, #tpu.memory_space<vmem_shared>>
      tpu.wait_dma2 semaphore(%run_scoped3A : memref<!tpu.dma_semaphore, #tpu.memory_space<semaphore_mem>>) src(%dma_wait3A_42 : memref<6x128xf32, #tpu.memory_space<vmem_shared>>) dst(%arg14 : memref<6x128xf32, #tpu.memory_space<vmem>>)
      tpu.yield
    }) : () -> ()
    %scan3A = arith.constant 0 : i32
    %scan3A_17 = arith.constant 48 : i32
    %scan3A_18 = arith.addi %scan3A, %scan3A_17 : i32
    %scan3A_19 = arith.constant 1 : i32
    scf.for %scan3A_35 = %scan3A to %scan3A_18 step %scan3A_19  : i32 {
      %mul3A_36 = arith.constant 16 : i32
      %mul3A_37 = arith.muli %scan3A_35, %mul3A_36 : i32
      %shift_right_logical3A = arith.constant 3 : i32
      %shift_right_logical3A_38 = arith.shrui %scan3A_35, %shift_right_logical3A : i32
      %and3A = arith.constant 7 : i32
      %and3A_39 = arith.andi %scan3A_35, %and3A : i32
      %mul3A_40 = arith.constant 16 : i32
      %mul3A_41 = arith.muli %and3A_39, %mul3A_40 : i32
      %get3A = arith.index_cast %shift_right_logical3A_38 : i32 to index
      %get3A_42 = arith.index_cast %mul3A_41 : i32 to index
      %get3A_43 = tpu.vector_load %arg14[%get3A, %get3A_42] {strides = array<i32>} : memref<6x128xf32, #tpu.memory_space<vmem>>, vector<16xf32>,
      %gt3A = arith.constant 0.000000e+00 : f32
      %gt3A_44 = vector.broadcast %gt3A : f32 to vector<16xf32>
      %gt3A_45 = arith.cmpf ogt, %get3A_43, %gt3A_44 : vector<16xf32>
      %jit3A = arith.constant 0.707106769 : f32
      %jit3A_46 = arith.constant 1.000000e+00 : f32
      %broadcast_in_dim3A = vector.broadcast %jit3A : f32 to vector<16xf32>
      %broadcast_in_dim3A_47 = vector.broadcast %jit3A_46 : f32 to vector<16xf32>
      %select_n3A = arith.select %gt3A_45, %broadcast_in_dim3A, %broadcast_in_dim3A_47 : vector<16xi1>, vector<16xf32>
      %swap3A = arith.index_cast %mul3A_37 : i32 to index
      %swap3A_48 = tpu.vector_load %arg15[%swap3A] {strides = array<i32>} : memref<768xf32, #tpu.memory_space<vmem>>, vector<16xf32>,
      tpu.vector_store %arg15[%swap3A], %get3A_43 {strides = array<i32>} : memref<768xf32, #tpu.memory_space<vmem>>, vector<16xf32>,
      %swap3A_49 = arith.index_cast %mul3A_37 : i32 to index
      %swap3A_50 = tpu.vector_load %arg16[%swap3A_49] {strides = array<i32>} : memref<768xf32, #tpu.memory_space<vmem>>, vector<16xf32>,
      tpu.vector_store %arg16[%swap3A_49], %select_n3A {strides = array<i32>} : memref<768xf32, #tpu.memory_space<vmem>>, vector<16xf32>,
      %gt3A_51 = arith.constant 0.000000e+00 : f32
      %gt3A_52 = vector.broadcast %gt3A_51 : f32 to vector<16xf32>
      %gt3A_53 = arith.cmpf ogt, %get3A_43, %gt3A_52 : vector<16xf32>
      %div3A = arith.divf %select_n3A, %get3A_43 : vector<16xf32>
      %jit3A_54 = arith.constant 0.000000e+00 : f32
      %broadcast_in_dim3A_55 = vector.broadcast %jit3A_54 : f32 to vector<16xf32>
      %select_n3A_56 = arith.select %gt3A_53, %div3A, %broadcast_in_dim3A_55 : vector<16xi1>, vector<16xf32>
      %swap3A_57 = arith.index_cast %mul3A_37 : i32 to index
      %swap3A_58 = tpu.vector_load %arg17[%swap3A_57] {strides = array<i32>} : memref<768xf32, #tpu.memory_space<vmem>>, vector<16xf32>,
      tpu.vector_store %arg17[%swap3A_57], %select_n3A_56 {strides = array<i32>} : memref<768xf32, #tpu.memory_space<vmem>>, vector<16xf32>,
    }
    %scan3A_20 = arith.constant 48 : i32
    "tpu.region"() ({
      %run_scoped3A = tpu.sem_alloc : memref<!tpu.dma_semaphore, #tpu.memory_space<semaphore_mem>>
      %dma_start3A_35 = tpu.memref_slice %arg22[%mul3A_2] : memref<12288xf32, #tpu.memory_space<vmem_shared>> -> memref<768xf32, #tpu.memory_space<vmem_shared>>
      %dma_start3A_36 = tpu.memref_slice %arg22[%mul3A_2] : memref<12288xf32, #tpu.memory_space<vmem_shared>> -> memref<768xf32, #tpu.memory_space<vmem_shared>>
      tpu.enqueue_dma source(%arg17 : memref<768xf32, #tpu.memory_space<vmem>>) target(%dma_start3A_36 : memref<768xf32, #tpu.memory_space<vmem_shared>>) target_semaphore(%run_scoped3A : memref<!tpu.dma_semaphore, #tpu.memory_space<semaphore_mem>>)
      %dma_wait3A_37 = tpu.memref_slice %arg22[%mul3A_2] : memref<12288xf32, #tpu.memory_space<vmem_shared>> -> memref<768xf32, #tpu.memory_space<vmem_shared>>
      %dma_wait3A_38 = tpu.memref_slice %arg22[%mul3A_2] : memref<12288xf32, #tpu.memory_space<vmem_shared>> -> memref<768xf32, #tpu.memory_space<vmem_shared>>
      tpu.wait_dma2 semaphore(%run_scoped3A : memref<!tpu.dma_semaphore, #tpu.memory_space<semaphore_mem>>) src(%arg17 : memref<768xf32, #tpu.memory_space<vmem>>) dst(%dma_wait3A_38 : memref<768xf32, #tpu.memory_space<vmem_shared>>)
      tpu.yield
    }) : () -> ()
    %barrier3A_21 = arith.constant 0 : index
    tpu.barrier barrier_id(%barrier3A_21)
    "tpu.trace_stop"() : () -> ()
    "tpu.trace_start"() <{level = 10 : i32, message = "sc_stage2"}> : () -> ()
    "tpu.region"() ({
      %run_scoped3A = tpu.sem_alloc : memref<!tpu.dma_semaphore, #tpu.memory_space<semaphore_mem>>
      tpu.enqueue_dma source(%arg22 : memref<12288xf32, #tpu.memory_space<vmem_shared>>) target(%arg12 : memref<12288xf32, #tpu.memory_space<vmem>>) target_semaphore(%run_scoped3A : memref<!tpu.dma_semaphore, #tpu.memory_space<semaphore_mem>>)
      tpu.wait_dma2 semaphore(%run_scoped3A : memref<!tpu.dma_semaphore, #tpu.memory_space<semaphore_mem>>) src(%arg22 : memref<12288xf32, #tpu.memory_space<vmem_shared>>) dst(%arg12 : memref<12288xf32, #tpu.memory_space<vmem>>)
      tpu.yield
    }) : () -> ()
    %dma_wait3A = tpu.memref_slice %arg2[%mul3A_0] : memref<640000xi32, #tpu.memory_space<hbm>> -> memref<20000xi32, #tpu.memory_space<hbm>>
    %dma_wait3A_22 = tpu.memref_slice %arg2[%mul3A_0] : memref<640000xi32, #tpu.memory_space<hbm>> -> memref<20000xi32, #tpu.memory_space<hbm>>
    tpu.wait_dma2 semaphore(%arg19 : memref<!tpu.dma_semaphore, #tpu.memory_space<semaphore_mem>>) src(%dma_wait3A_22 : memref<20000xi32, #tpu.memory_space<hbm>>) dst(%arg7 : memref<20000xi32, #tpu.memory_space<vmem>>)
    %parallel_loop3A_23 = arith.constant 0 : i32
    %parallel_loop3A_24 = arith.constant 20000 : i32
    %parallel_loop3A_25 = arith.constant 16 : i32
    "tpu.trace_stop"() : () -> ()
    "tpu.trace_start"() <{level = 10 : i32, message = "sc_pass2"}> : () -> ()
    scf.for %parallel_loop3A_35 = %parallel_loop3A_23 to %parallel_loop3A_24 step %parallel_loop3A_25  : i32 {
      %parallel_loop3A_36 = arith.index_cast %parallel_loop3A_35 : i32 to index
      %parallel_loop3A_37 = tpu.vector_load %arg7[%parallel_loop3A_36] {strides = array<i32>} : memref<20000xi32, #tpu.memory_space<vmem>>, vector<16xi32>,
      %parallel_loop3A_38 = arith.index_cast %parallel_loop3A_35 : i32 to index
      %parallel_loop3A_39 = tpu.vector_load %arg8[%parallel_loop3A_38] {strides = array<i32>} : memref<20000xi32, #tpu.memory_space<vmem>>, vector<16xi32>,
      %parallel_loop3A_40 = tpu.vector_load_idx %arg12[%parallel_loop3A_39] : memref<12288xf32, #tpu.memory_space<vmem>>[vector<16xi32>], vector<16xf32>,
      %parallel_loop3A_41 = arith.constant 7 : i32
      %parallel_loop3A_42 = vector.broadcast %parallel_loop3A_41 : i32 to vector<16xi32>
      %parallel_loop3A_43 = arith.shrui %parallel_loop3A_37, %parallel_loop3A_42 : vector<16xi32>
      %parallel_loop3A_44 = arith.constant 127 : i32
      %parallel_loop3A_45 = vector.broadcast %parallel_loop3A_44 : i32 to vector<16xi32>
      %parallel_loop3A_46 = arith.andi %parallel_loop3A_37, %parallel_loop3A_45 : vector<16xi32>
      %parallel_loop3A_47 = arith.index_cast %parallel_loop3A_35 : i32 to index
      %parallel_loop3A_48 = tpu.vector_load %arg9[%parallel_loop3A_47] {strides = array<i32>} : memref<20000xf32, #tpu.memory_space<vmem>>, vector<16xf32>,
      %parallel_loop3A_49 = math.exp %parallel_loop3A_48 : vector<16xf32>
      %parallel_loop3A_50 = arith.mulf %parallel_loop3A_49, %parallel_loop3A_40 : vector<16xf32>
      tpu.vector_store_idx %arg11[%parallel_loop3A_43, %parallel_loop3A_46], %parallel_loop3A_50 {add = true} : memref<96x128xf32, #tpu.memory_space<vmem>>[vector<16xi32>, vector<16xi32>], vector<16xf32>,
    } {sc.loop_unroll_factor = 8 : i64, sc.parallel_access}
    "tpu.trace_stop"() : () -> ()
    "tpu.trace_start"() <{level = 10 : i32, message = "sc_comb2"}> : () -> ()
    %barrier3A_26 = arith.constant 0 : index
    tpu.barrier barrier_id(%barrier3A_26)
    "tpu.region"() ({
      %run_scoped3A = tpu.sem_alloc : memref<!tpu.dma_semaphore, #tpu.memory_space<semaphore_mem>>
      %dma_start3A_35 = arith.constant 0 : i32
      %dma_start3A_36 = arith.constant 0 : i32
      %dma_start3A_37 = tpu.memref_slice %arg21[%dma_start3A_35, %dma_start3A_36] : memref<96x128xf32, #tpu.memory_space<vmem_shared>> -> memref<96x128xf32, #tpu.memory_space<vmem_shared>>
      tpu.enqueue_indirect_dma source(%arg11 : memref<96x128xf32, #tpu.memory_space<vmem>>) target(%dma_start3A_37 : memref<96x128xf32, #tpu.memory_space<vmem_shared>>) offsets(%arg13 : memref<96xi32, #tpu.memory_space<vmem>>) semaphore(%run_scoped3A : memref<!tpu.dma_semaphore, #tpu.memory_space<semaphore_mem>>) {add = true}
      %dma_wait3A_38 = arith.constant 0 : i32
      %dma_wait3A_39 = arith.constant 0 : i32
      %dma_wait3A_40 = tpu.memref_slice %arg21[%dma_wait3A_38, %dma_wait3A_39] : memref<96x128xf32, #tpu.memory_space<vmem_shared>> -> memref<96x128xf32, #tpu.memory_space<vmem_shared>>
      tpu.wait_indirect_dma semaphore(%run_scoped3A : memref<!tpu.dma_semaphore, #tpu.memory_space<semaphore_mem>>) src(%arg11 : memref<96x128xf32, #tpu.memory_space<vmem>>) dst(%dma_wait3A_40 : memref<96x128xf32, #tpu.memory_space<vmem_shared>>)
      tpu.yield
    }) : () -> ()
    %barrier3A_27 = arith.constant 0 : index
    tpu.barrier barrier_id(%barrier3A_27)
    "tpu.trace_stop"() : () -> ()
    "tpu.trace_start"() <{level = 10 : i32, message = "sc_finish"}> : () -> ()
    %mul3A_28 = arith.constant 6 : i32
    %mul3A_29 = arith.muli %arg1, %mul3A_28 : i32
    "tpu.region"() ({
      %run_scoped3A = tpu.sem_alloc : memref<!tpu.dma_semaphore, #tpu.memory_space<semaphore_mem>>
      %dma_start3A_35 = arith.constant 0 : i32
      %dma_start3A_36 = tpu.memref_slice %arg21[%mul3A_29, %dma_start3A_35] : memref<96x128xf32, #tpu.memory_space<vmem_shared>> -> memref<6x128xf32, #tpu.memory_space<vmem_shared>>
      %dma_start3A_37 = arith.constant 0 : i32
      %dma_start3A_38 = tpu.memref_slice %arg21[%mul3A_29, %dma_start3A_37] : memref<96x128xf32, #tpu.memory_space<vmem_shared>> -> memref<6x128xf32, #tpu.memory_space<vmem_shared>>
      tpu.enqueue_dma source(%dma_start3A_38 : memref<6x128xf32, #tpu.memory_space<vmem_shared>>) target(%arg14 : memref<6x128xf32, #tpu.memory_space<vmem>>) target_semaphore(%run_scoped3A : memref<!tpu.dma_semaphore, #tpu.memory_space<semaphore_mem>>)
      %dma_wait3A_39 = arith.constant 0 : i32
      %dma_wait3A_40 = tpu.memref_slice %arg21[%mul3A_29, %dma_wait3A_39] : memref<96x128xf32, #tpu.memory_space<vmem_shared>> -> memref<6x128xf32, #tpu.memory_space<vmem_shared>>
      %dma_wait3A_41 = arith.constant 0 : i32
      %dma_wait3A_42 = tpu.memref_slice %arg21[%mul3A_29, %dma_wait3A_41] : memref<96x128xf32, #tpu.memory_space<vmem_shared>> -> memref<6x128xf32, #tpu.memory_space<vmem_shared>>
      tpu.wait_dma2 semaphore(%run_scoped3A : memref<!tpu.dma_semaphore, #tpu.memory_space<semaphore_mem>>) src(%dma_wait3A_42 : memref<6x128xf32, #tpu.memory_space<vmem_shared>>) dst(%arg14 : memref<6x128xf32, #tpu.memory_space<vmem>>)
      tpu.yield
    }) : () -> ()
    %scan3A_30 = arith.constant 0 : i32
    %scan3A_31 = arith.constant 48 : i32
    %scan3A_32 = arith.addi %scan3A_30, %scan3A_31 : i32
    %scan3A_33 = arith.constant 1 : i32
    scf.for %scan3A_35 = %scan3A_30 to %scan3A_32 step %scan3A_33  : i32 {
      %mul3A_36 = arith.constant 16 : i32
      %mul3A_37 = arith.muli %scan3A_35, %mul3A_36 : i32
      %shift_right_logical3A = arith.constant 3 : i32
      %shift_right_logical3A_38 = arith.shrui %scan3A_35, %shift_right_logical3A : i32
      %and3A = arith.constant 7 : i32
      %and3A_39 = arith.andi %scan3A_35, %and3A : i32
      %mul3A_40 = arith.constant 16 : i32
      %mul3A_41 = arith.muli %and3A_39, %mul3A_40 : i32
      %get3A = arith.index_cast %shift_right_logical3A_38 : i32 to index
      %get3A_42 = arith.index_cast %mul3A_41 : i32 to index
      %get3A_43 = tpu.vector_load %arg14[%get3A, %get3A_42] {strides = array<i32>} : memref<6x128xf32, #tpu.memory_space<vmem>>, vector<16xf32>,
      %get3A_44 = arith.index_cast %mul3A_37 : i32 to index
      %get3A_45 = tpu.vector_load %arg15[%get3A_44] {strides = array<i32>} : memref<768xf32, #tpu.memory_space<vmem>>, vector<16xf32>,
      %gt3A = arith.constant 0.000000e+00 : f32
      %gt3A_46 = vector.broadcast %gt3A : f32 to vector<16xf32>
      %gt3A_47 = arith.cmpf ogt, %get3A_45, %gt3A_46 : vector<16xf32>
      %jit3A = arith.constant 5.000000e-01 : f32
      %jit3A_48 = arith.constant 1.000000e+00 : f32
      %broadcast_in_dim3A = vector.broadcast %jit3A : f32 to vector<16xf32>
      %broadcast_in_dim3A_49 = vector.broadcast %jit3A_48 : f32 to vector<16xf32>
      %select_n3A = arith.select %gt3A_47, %broadcast_in_dim3A, %broadcast_in_dim3A_49 : vector<16xi1>, vector<16xf32>
      %get3A_50 = arith.index_cast %mul3A_37 : i32 to index
      %get3A_51 = tpu.vector_load %arg16[%get3A_50] {strides = array<i32>} : memref<768xf32, #tpu.memory_space<vmem>>, vector<16xf32>,
      %mul3A_52 = arith.mulf %get3A_43, %get3A_51 : vector<16xf32>
      %add3A_53 = arith.addf %mul3A_52, %select_n3A : vector<16xf32>
      %mul3A_54 = arith.constant 16 : i32
      %mul3A_55 = arith.muli %scan3A_35, %mul3A_54 : i32
      %add3A_56 = arith.addi %mul3A_2, %mul3A_55 : i32
      %iota3A = tpu.iota {dimensions = array<i32: 0>} : vector<16xi32>
      %add3A_57 = vector.broadcast %add3A_56 : i32 to vector<16xi32>
      %add3A_58 = arith.addi %add3A_57, %iota3A : vector<16xi32>
      %lt3A = arith.constant 10000 : i32
      %lt3A_59 = vector.broadcast %lt3A : i32 to vector<16xi32>
      %lt3A_60 = arith.cmpi slt, %add3A_58, %lt3A_59 : vector<16xi32>
      %jit3A_61 = arith.constant 0.000000e+00 : f32
      %broadcast_in_dim3A_62 = vector.broadcast %jit3A_61 : f32 to vector<16xf32>
      %select_n3A_63 = arith.select %lt3A_60, %add3A_53, %broadcast_in_dim3A_62 : vector<16xi1>, vector<16xf32>
      %swap3A = arith.index_cast %mul3A_37 : i32 to index
      %swap3A_64 = tpu.vector_load %arg18[%swap3A] {strides = array<i32>} : memref<768xf32, #tpu.memory_space<vmem>>, vector<16xf32>,
      tpu.vector_store %arg18[%swap3A], %select_n3A_63 {strides = array<i32>} : memref<768xf32, #tpu.memory_space<vmem>>, vector<16xf32>,
    }
    %scan3A_34 = arith.constant 48 : i32
    "tpu.region"() ({
      %run_scoped3A = tpu.sem_alloc : memref<!tpu.dma_semaphore, #tpu.memory_space<semaphore_mem>>
      %dma_start3A_35 = tpu.memref_slice %arg6[%mul3A_2] : memref<12288xf32, #tpu.memory_space<hbm>> -> memref<768xf32, #tpu.memory_space<hbm>>
      %dma_start3A_36 = tpu.memref_slice %arg6[%mul3A_2] : memref<12288xf32, #tpu.memory_space<hbm>> -> memref<768xf32, #tpu.memory_space<hbm>>
      tpu.enqueue_dma source(%arg18 : memref<768xf32, #tpu.memory_space<vmem>>) target(%dma_start3A_36 : memref<768xf32, #tpu.memory_space<hbm>>) target_semaphore(%run_scoped3A : memref<!tpu.dma_semaphore, #tpu.memory_space<semaphore_mem>>)
      %dma_wait3A_37 = tpu.memref_slice %arg6[%mul3A_2] : memref<12288xf32, #tpu.memory_space<hbm>> -> memref<768xf32, #tpu.memory_space<hbm>>
      %dma_wait3A_38 = tpu.memref_slice %arg6[%mul3A_2] : memref<12288xf32, #tpu.memory_space<hbm>> -> memref<768xf32, #tpu.memory_space<hbm>>
      tpu.wait_dma2 semaphore(%run_scoped3A : memref<!tpu.dma_semaphore, #tpu.memory_space<semaphore_mem>>) src(%arg18 : memref<768xf32, #tpu.memory_space<vmem>>) dst(%dma_wait3A_38 : memref<768xf32, #tpu.memory_space<hbm>>)
      tpu.yield
    }) : () -> ()
    "tpu.trace_stop"() : () -> ()
    return
  }
}

module attributes {stable_mosaic.version = 14 : i64} {
  func.func @_tc_body(%arg0: memref<1x12288xf32, #tpu.memory_space<vmem>>, %arg1: memref<10000x128xf32, #tpu.memory_space<vmem>>, %arg2: memref<1024x128xf32, #tpu.memory_space<vmem>>, %arg3: memref<128x256xf32, #tpu.memory_space<vmem>>, %arg4: memref<1x256xf32, #tpu.memory_space<vmem>>, %arg5: memref<256x128xf32, #tpu.memory_space<vmem>>, %arg6: memref<1x128xf32, #tpu.memory_space<vmem>>, %arg7: memref<128x128xf32, #tpu.memory_space<vmem>>, %arg8: memref<1x128xf32, #tpu.memory_space<vmem>>, %arg9: memref<128x128xf32, #tpu.memory_space<vmem>>, %arg10: memref<128x128xf32, #tpu.memory_space<vmem>>, %arg11: memref<1x128xf32, #tpu.memory_space<vmem>>, %arg12: memref<1024x128xf32, #tpu.memory_space<vmem>>) attributes {dimension_semantics = [], scalar_prefetch = 0 : i64, scratch_operands = 0 : i64, tpu.core_type = #tpu.core_type<tc>} {
    %get3A = arith.constant 0 : index
    %get3A_0 = arith.constant 0 : index
    %get3A_1 = vector.load %arg0[%get3A, %get3A_0] : memref<1x12288xf32, #tpu.memory_space<vmem>>, vector<1x12288xf32>
    %slice3A = vector.extract_strided_slice %get3A_1 {offsets = [0, 0], sizes = [1, 10000], strides = [1, 1]} : vector<1x12288xf32> to vector<1x10000xf32>
    %get3A_2 = arith.constant 0 : index
    %get3A_3 = arith.constant 0 : index
    %get3A_4 = vector.load %arg1[%get3A_2, %get3A_3] : memref<10000x128xf32, #tpu.memory_space<vmem>>, vector<10000x128xf32>
    %dot_general3A = arith.constant dense<0.000000e+00> : vector<1x128xf32>
    %dot_general3A_5 = tpu.matmul %slice3A, %get3A_4, %dot_general3A {dimension_numbers = #tpu.dot_dimension_numbers<[1], [0], [0], [1], [0, 0, 1, 1], [], []>, transpose_lhs_hint = false} : vector<1x10000xf32>, vector<10000x128xf32>, vector<1x128xf32> -> vector<1x128xf32>
    %mul3A = arith.constant 9.99999974E-5 : f32
    %mul3A_6 = vector.broadcast %mul3A : f32 to vector<1x128xf32>
    %mul3A_7 = arith.mulf %dot_general3A_5, %mul3A_6 : vector<1x128xf32>
    %get3A_8 = arith.constant 0 : index
    %get3A_9 = arith.constant 0 : index
    %get3A_10 = vector.load %arg7[%get3A_8, %get3A_9] : memref<128x128xf32, #tpu.memory_space<vmem>>, vector<128x128xf32>
    %dot_general3A_11 = arith.constant dense<0.000000e+00> : vector<1x128xf32>
    %dot_general3A_12 = tpu.matmul %mul3A_7, %get3A_10, %dot_general3A_11 {dimension_numbers = #tpu.dot_dimension_numbers<[1], [0], [0], [1], [0, 0, 1, 1], [], []>, transpose_lhs_hint = false} : vector<1x128xf32>, vector<128x128xf32>, vector<1x128xf32> -> vector<1x128xf32>
    %get3A_13 = arith.constant 0 : index
    %get3A_14 = arith.constant 0 : index
    %get3A_15 = vector.load %arg8[%get3A_13, %get3A_14] : memref<1x128xf32, #tpu.memory_space<vmem>>, vector<1x128xf32>
    %add3A = arith.addf %dot_general3A_12, %get3A_15 : vector<1x128xf32>
    %get3A_16 = arith.constant 0 : index
    %get3A_17 = arith.constant 0 : index
    %get3A_18 = vector.load %arg2[%get3A_16, %get3A_17] : memref<1024x128xf32, #tpu.memory_space<vmem>>, vector<1024x128xf32>
    %get3A_19 = arith.constant 0 : index
    %get3A_20 = arith.constant 0 : index
    %get3A_21 = vector.load %arg3[%get3A_19, %get3A_20] : memref<128x256xf32, #tpu.memory_space<vmem>>, vector<128x256xf32>
    %dot_general3A_22 = arith.constant dense<0.000000e+00> : vector<1024x256xf32>
    %dot_general3A_23 = tpu.matmul %get3A_18, %get3A_21, %dot_general3A_22 {dimension_numbers = #tpu.dot_dimension_numbers<[1], [0], [0], [1], [0, 0, 1, 1], [], []>, transpose_lhs_hint = false} : vector<1024x128xf32>, vector<128x256xf32>, vector<1024x256xf32> -> vector<1024x256xf32>
    %get3A_24 = arith.constant 0 : index
    %get3A_25 = arith.constant 0 : index
    %get3A_26 = vector.load %arg4[%get3A_24, %get3A_25] : memref<1x256xf32, #tpu.memory_space<vmem>>, vector<1x256xf32>
    %add3A_27 = vector.broadcast %get3A_26 : vector<1x256xf32> to vector<1024x256xf32>
    %add3A_28 = arith.addf %dot_general3A_23, %add3A_27 : vector<1024x256xf32>
    %max3A = arith.constant 0.000000e+00 : f32
    %max3A_29 = vector.broadcast %max3A : f32 to vector<1024x256xf32>
    %max3A_30 = arith.maximumf %add3A_28, %max3A_29 : vector<1024x256xf32>
    %get3A_31 = arith.constant 0 : index
    %get3A_32 = arith.constant 0 : index
    %get3A_33 = vector.load %arg5[%get3A_31, %get3A_32] : memref<256x128xf32, #tpu.memory_space<vmem>>, vector<256x128xf32>
    %dot_general3A_34 = arith.constant dense<0.000000e+00> : vector<1024x128xf32>
    %dot_general3A_35 = tpu.matmul %max3A_30, %get3A_33, %dot_general3A_34 {dimension_numbers = #tpu.dot_dimension_numbers<[1], [0], [0], [1], [0, 0, 1, 1], [], []>, transpose_lhs_hint = false} : vector<1024x256xf32>, vector<256x128xf32>, vector<1024x128xf32> -> vector<1024x128xf32>
    %get3A_36 = arith.constant 0 : index
    %get3A_37 = arith.constant 0 : index
    %get3A_38 = vector.load %arg6[%get3A_36, %get3A_37] : memref<1x128xf32, #tpu.memory_space<vmem>>, vector<1x128xf32>
    %add3A_39 = vector.broadcast %get3A_38 : vector<1x128xf32> to vector<1024x128xf32>
    %add3A_40 = arith.addf %dot_general3A_35, %add3A_39 : vector<1024x128xf32>
    %get3A_41 = arith.constant 0 : index
    %get3A_42 = arith.constant 0 : index
    %get3A_43 = vector.load %arg10[%get3A_41, %get3A_42] : memref<128x128xf32, #tpu.memory_space<vmem>>, vector<128x128xf32>
    %dot_general3A_44 = arith.constant dense<0.000000e+00> : vector<1x128xf32>
    %dot_general3A_45 = tpu.matmul %add3A, %get3A_43, %dot_general3A_44 {dimension_numbers = #tpu.dot_dimension_numbers<[1], [0], [0], [1], [0, 0, 1, 1], [], []>, transpose_lhs_hint = false} : vector<1x128xf32>, vector<128x128xf32>, vector<1x128xf32> -> vector<1x128xf32>
    %get3A_46 = arith.constant 0 : index
    %get3A_47 = arith.constant 0 : index
    %get3A_48 = vector.load %arg11[%get3A_46, %get3A_47] : memref<1x128xf32, #tpu.memory_space<vmem>>, vector<1x128xf32>
    %add3A_49 = arith.addf %dot_general3A_45, %get3A_48 : vector<1x128xf32>
    %get3A_50 = arith.constant 0 : index
    %get3A_51 = arith.constant 0 : index
    %get3A_52 = vector.load %arg9[%get3A_50, %get3A_51] : memref<128x128xf32, #tpu.memory_space<vmem>>, vector<128x128xf32>
    %dot_general3A_53 = arith.constant dense<0.000000e+00> : vector<1024x128xf32>
    %dot_general3A_54 = tpu.matmul %add3A_40, %get3A_52, %dot_general3A_53 {dimension_numbers = #tpu.dot_dimension_numbers<[1], [0], [0], [1], [0, 0, 1, 1], [], []>, transpose_lhs_hint = false} : vector<1024x128xf32>, vector<128x128xf32>, vector<1024x128xf32> -> vector<1024x128xf32>
    %add3A_55 = vector.broadcast %add3A_49 : vector<1x128xf32> to vector<1024x128xf32>
    %add3A_56 = arith.addf %dot_general3A_54, %add3A_55 : vector<1024x128xf32>
    %swap3A = arith.constant 0 : index
    %swap3A_57 = arith.constant 0 : index
    %swap3A_58 = vector.load %arg12[%swap3A, %swap3A_57] : memref<1024x128xf32, #tpu.memory_space<vmem>>, vector<1024x128xf32>
    tpu.vector_store %arg12[%swap3A, %swap3A_57], %add3A_56 {strides = array<i32>} : memref<1024x128xf32, #tpu.memory_space<vmem>>, vector<1024x128xf32>,
    return
  }
}

</mosaic_0001>

<sc_bundles>
// kernel: kernel.4.cloned.1.call-start
scs
__scs_entry_jumppad:
0x0: {  	(pc) =	sbr.rel $0x88, $3  }
0x1: {  	(tag) =	ssettag $0x0;
	lr =	simm.s32 $0x1  }
0x2: {  	[smem:$0x3F95] =	sst lr;
	_ =	strace $0xD0000000  }
0x3: {  	_ = 	snop  }
0x4: {  	_ = 	snop  }
0x5: {  	_ = 	snop  }
0x6: {  	_ = 	snop  }
0x7: {  	_ = 	snop  }
__scs_overlays_trampoline_lowered:
0x8: {  	[smem:$0x3FA4] =	sst s0  }
0x9: {  	[smem:$0x3FA5] =	sst s1  }
0xa: {  	[smem:$0x3FA6] =	sst s2  }
0xb: {  	[smem:$0x3FA7] =	sst s3  }
0xc: {  	[smem:$0x3FA8] =	sst s4  }
0xd: {  	[smem:$0x3FA9] =	sst s5  }
0xe: {  	[smem:$0x3FAA] =	sst s6  }
0xf: {  	[smem:$0x3FAB] =	sst s7  }
0x10: {  	[smem:$0x3FAC] =	sst s8  }
0x11: {  	[smem:$0x3FAD] =	sst s9;
	s0 =	simm.s32 @!p0 $0x0  }
0x12: {  	s1 =	sld [smem:$0x3F93];
	s0 =	simm.s32 @p0 $0x1  }
0x13: {  	[smem:$0x3FAE] =	sst s0;
	s0 =	simm.s32 @!p1 $0x0  }
0x14: {  	s2 =	sld [smem:$0x3F92];
	s0 =	simm.s32 @p1 $0x1  }
0x15: {  	[smem:$0x3FAF] =	sst s0;
	s0 =	simm.s32 @!p2 $0x0  }
0x16: {  	s3 =	sld [smem:$0x3FDB];
	s0 =	simm.s32 @p2 $0x1  }
0x17: {  	s4 =	simm.s32 $0x1BF5;
	[smem:$0x3FB1] =	sst s0  }
0x18: {  	s0 =	sld [smem:$0x3F94];
	_ =	swait.ge [sflag:s4], $0x0  }
0x19: {  	s7 =	sld [smem:$0x3F95]  }
0x1a: {  	s8 =	sadd.s32 $0xFFFFE003, lr  }
0x1b: {  	s9 =	sadd.s32 $0xFFFFFEF7, lr;
	s5 =	simm.s32 $0xFFFFFFFF;
	p2 =	slt.u32 s8, $0xFFFFF086  }
0x1c: {  	p1 =	slt.u32 s9, $0xF7A;
	s5 =	simm.s32 @!p2 $0x0  }
0x1d: {  	s5 =	simm.s32 @p1 $0x1;
	p0 =	seq.s32 s7, s2  }
0x1e: {  	s7 =	smul.u32 @!p0 $0xF7A, s2;
	p2 =	seq.s32 @!p0 s5, $0x0  }
0x1f: {  	s9 =	smul.u32 $0xF7A, s1;
	s8 =	simm.s32 @!p0 $0x1BF5;
	p2 =	por !p2, p0  }
0x20: {  	[sflag:s8] =	ssyncset.s32 @!p0 $0xFFFFF086;
	s6 =	sadd.s32 @!p0 s3, s7;
	s7 =	simm.s32 @!p0 $0x108  }
0x21: {  	s3 =	sadd.s32 s3, s9;
	s6 =	sadd.s32 @!p0 $0x88, s6;
	s7 =	simm.s32 @p2 $0x1082  }
0x22: {  	[simem:s7], [sflag:s8] =	dma.local @!p0 [hbm:s6], $0xF7A  }
0x23: {  	s9 =	sor.u32 $0xD0000000, s2;
	s6 =	simm.s32 $0x108;
	_ =	swait.ge @!p0 [sflag:s8], $0x0  }
0x24: {  	s3 =	sadd.s32 $0x88, s3;
	s6 =	simm.s32 @!p1 $0x1082;
	[sflag:s4] =	ssyncset.s32 $0xFFFFF086  }
0x25: {  	[simem:s6], [sflag:s4] =	dma.local [hbm:s3], $0xF7A  }
0x26: {  	[smem:$0x3F95] =	sst s1;
	(tag) =	ssettag s2;
	_ =	strace s9  }
0x27: {  	s1 =	sld [smem:$0x3FA5]  }
0x28: {  	s2 =	sld [smem:$0x3FA6]  }
0x29: {  	s4 =	sld [smem:$0x3FA8]  }
0x2a: {  	p0 =	seq.s32 s5, $0x0;
	s5 =	sld [smem:$0x3FA9]  }
0x2b: {  	s6 =	sld [smem:$0x3FAA]  }
0x2c: {  	s7 =	sld [smem:$0x3FAB]  }
0x2d: {  	s3 =	simm.s32 $0x108;
	s8 =	sld [smem:$0x3FAC]  }
0x2e: {  	s3 =	simm.s32 @!p0 $0x1082;
	s9 =	sld [smem:$0x3FAD]  }
0x2f: {  	lr =	sadd.s32 s0, s3;
	s0 =	sld [smem:$0x3FA4]  }
0x30: {  	s3 =	sld [smem:$0x3FA7]  }
0x31: {  	[smem:$0x3FB0] =	sst s10  }
0x32: {  	s10 =	sld [smem:$0x3FAE];
	_ =	sdelay $0x3  }
0x33: {  	p0 =	seq.s32 s10, $0x1;
	s10 =	sld [smem:$0x3FB0];
	_ =	sdelay $0x3  }
0x34: {  	[smem:$0x3FB0] =	sst s10  }
0x35: {  	s10 =	sld [smem:$0x3FAF];
	_ =	sdelay $0x3  }
0x36: {  	p1 =	seq.s32 s10, $0x1;
	s10 =	sld [smem:$0x3FB0];
	_ =	sdelay $0x3  }
0x37: {  	[smem:$0x3FB0] =	sst s10  }
0x38: {  	s10 =	sld [smem:$0x3FB1]  }
0x39: {  	_ = 	snop;
	(pc) =	sbr.ind lr, $3  }
0x3a: {  	_ = 	snop  }
0x3b: {  	_ = 	snop  }
0x3c: {  	p2 =	seq.s32 s10, $0x1;
	s10 =	sld [smem:$0x3FB0]  }
0x3d: {  	_ =	shalt  }
0x3e: {  	_ =	shalt  }
0x3f: {  	_ =	shalt  }
0x40: {  	_ =	shalt  }
0x41: {  	_ =	shalt  }
0x42: {  	_ =	shalt  }
0x43: {  	_ =	shalt  }
0x44: {  	_ =	shalt  }
0x45: {  	_ =	shalt  }
0x46: {  	_ =	shalt  }
0x47: {  	_ =	shalt  }
0x48: {  	_ =	shalt  }
0x49: {  	_ =	shalt  }
0x4a: {  	_ =	shalt  }
0x4b: {  	_ =	shalt  }
0x4c: {  	_ =	shalt  }
0x4d: {  	_ =	shalt  }
0x4e: {  	_ =	shalt  }
0x4f: {  	_ =	shalt  }
0x50: {  	_ =	shalt  }
0x51: {  	_ =	shalt  }
0x52: {  	_ =	shalt  }
0x53: {  	_ =	shalt  }
0x54: {  	_ =	shalt  }
0x55: {  	_ =	shalt  }
0x56: {  	_ =	shalt  }
0x57: {  	_ =	shalt  }
0x58: {  	_ =	shalt  }
0x59: {  	_ =	shalt  }
0x5a: {  	_ =	shalt  }
0x5b: {  	_ =	shalt  }
0x5c: {  	_ =	shalt  }
0x5d: {  	_ =	shalt  }
0x5e: {  	_ =	shalt  }
0x5f: {  	_ =	shalt  }
0x60: {  	_ =	shalt  }
0x61: {  	_ =	shalt  }
0x62: {  	_ =	shalt  }
0x63: {  	_ =	shalt  }
0x64: {  	_ =	shalt  }
0x65: {  	_ =	shalt  }
0x66: {  	_ =	shalt  }
0x67: {  	_ =	shalt  }
0x68: {  	_ =	shalt  }
0x69: {  	_ =	shalt  }
0x6a: {  	_ =	shalt  }
0x6b: {  	_ =	shalt  }
0x6c: {  	_ =	shalt  }
0x6d: {  	_ =	shalt  }
0x6e: {  	_ =	shalt  }
0x6f: {  	_ =	shalt  }
0x70: {  	_ =	shalt  }
0x71: {  	_ =	shalt  }
0x72: {  	_ =	shalt  }
0x73: {  	_ =	shalt  }
0x74: {  	_ =	shalt  }
0x75: {  	_ =	shalt  }
0x76: {  	_ =	shalt  }
0x77: {  	_ =	shalt  }
0x78: {  	_ =	shalt  }
0x79: {  	_ =	shalt  }
0x7a: {  	_ =	shalt  }
0x7b: {  	_ =	shalt  }
0x7c: {  	_ =	shalt  }
0x7d: {  	_ =	shalt  }
0x7e: {  	_ =	shalt  }
0x7f: {  	_ =	shalt  }
0x80: {  	_ =	shalt  }
0x81: {  	_ =	shalt  }
0x82: {  	_ =	shalt  }
0x83: {  	_ =	shalt  }
0x84: {  	_ =	shalt  }
0x85: {  	_ =	shalt  }
0x86: {  	_ =	shalt  }
0x87: {  	_ =	shalt  }
.Lfunc_end0:
.L_simem_size_0:
called_computation_lowered:
.L_overlay_start_0:
0x88: {  	s0 =	sld [smem:$0x3FD9]  }
0x89: {  	s1 =	sld [smem:$0x3FFE];
	_ =	sdelay $0x3  }
0x8a: {  	s0 =	sadd.s32 s1, s0  }
0x8b: {  	[smem:$0x3FBC] =	sst s0  }
0x8c: {  	_ = 	snop  }
0x8d: {  	s0 =	sld [smem:$0x3FC6]  }
0x8e: {  	s16 =	sld [smem:$0x3FD0];
	(tm) =	ssettm $0x1  }
0x8f: {  	s2 =	sld [smem:$0x3FFB];
	_ =	sdelay $0x3  }
0x90: {  	_ =	strace s2  }
0x91: {  	s2 =	sld [smem:$0x3FFC];
	_ =	sdelay $0x3  }
0x92: {  	_ =	strace s2  }
0x93: {  	s2 =	sld [smem:$0x3FFD];
	_ =	sdelay $0x3  }
0x94: {  	_ =	strace s2  }
0x95: {  	_ =	strace $0x8FFFFFFF  }
0x96: {  	s17 =	sld [smem:$0x3FDB];
	_ =	sdelay $0x1  }
0x97: {  	s3 =	simm.s32 $_scs_section_size  }
0x98: {  	s4 =	simm.s32 $_size__tile_overlayer_lowered;
	s5 =	simm.s32 $_tile_overlayer_lowered  }
0x99: {  	s20 =	simm.s32 $0x1BFF;
	s19 =	sshll.u32 s5, $0x1;
	s2 =	sadd.s32 s3, s17  }
0x9a: {  	s6 =	simm.s32 $0x0;
	s18 =	sshll.u32 s4, $0x1;
	s4 =	sadd.s32 s19, s2  }
0x9b: {  	[timem:s6], [sflag:s20] =	dma.local [hbm:s4], s18  }
0x9c: {  	_ =	swait.ge [sflag:s20], s18  }
0x9d: {  	s3 =	ssub.s32 $0x0, s18;
	[sflag:s20] =	ssyncset.done $0x0  }
0x9e: {  	[sflag:s20] =	ssyncadd.s32 s3;
	_ =	sdelay $0x1  }
0x9f: {  	s21 =	simm.s32 $0x1B8B  }
0xa0: {  	_ =	swait.ge [sflag:s21], $0x1  }
0xa1: {  	[sflag:s21] =	ssyncset.done $0x0  }
0xa2: {  	s23 =	simm.s32 $0x1B8E;
	s22 =	sld [smem:$0x3FFE];
	[sflag:s21] =	ssyncadd.s32 $0xFFFFFFFF  }
0xa3: {  	s24 =	simm.s32 $execute0_lowered;
	[smem:$0x3FD2] =	sst s23  }
0xa4: {  	s4 =	sshll.u32 s24, $0x1;
	_ =	strace $0x80000046;
	[dreg:$0x1] =	wrdreg $0xFFFFFFFF  }
0xa5: {  	s25 =	simm.s32 $_size_execute0_lowered;
	s2 =	sadd.s32 s2, s4;
	[dreg:$0x0] =	wrdreg $0x0  }
0xa6: {  	s4 =	sshll.u32 s25, $0x1;
	[dreg:$0x2] =	wrdreg s2  }
0xa7: {  	[dreg:$0x3] =	wrdreg s4  }
0xa8: {  	[dreg:$0x4] =	wrdreg $0xC0  }
0xa9: {  	_ =	task [dreg:s6], $0x5FFFF  }
0xaa: {  	[dreg:$0x1] =	wrdreg $0xFFFFFFFF  }
0xab: {  	[dreg:$0x0] =	wrdreg $0x60  }
0xac: {  	[dreg:$0x2] =	wrdreg s22  }
0xad: {  	[dreg:$0x3] =	wrdreg s0  }
0xae: {  	[dreg:$0x4] =	wrdreg s16  }
0xaf: {  	[dreg:$0x5] =	wrdreg $0x18C000  }
0xb0: {  	[dreg:$0x6] =	wrdreg $0x18F000  }
0xb1: {  	[dreg:$0x7] =	wrdreg $0x192000  }
0xb2: {  	[dreg:$0x8] =	wrdreg $0x9  }
0xb3: {  	_ =	task.clear_ibuf [dreg:s6], $0x9FFFF;
	_ =	strace $0x90000046  }
0xb4: {  	s26 =	simm.s32 $0x9;
	_ =	strace $0x80000050  }
0xb5: {  	_ =	swait.ge [sflag:s26], $0x1  }
0xb6: {  	[sflag:s26] =	ssyncadd.s32 $0xFFFFFFFF  }
0xb7: {  	_ =	strace $0x90000050  }
0xb8: {  	_ =	sfence  }
0xb9: {  	s28 =	sld [smem:$0x0];
	_ =	sdelay $0x1  }
0xba: {  	s29 =	srdreg.scid  }
0xbb: {  	s30 =	sshll.u32 s29, $0xD;
	s31 =	sshrl.u32 s29, $0x2  }
0xbc: {  	s1 =	sand.u32 $0x1, s29;
	s2 =	sand.u32 $0x4000, s30;
	s0 =	sadd.s32 s31, s28  }
0xbd: {  	s1 =	sor.u32 s2, s1;
	s0 =	sshll.u32 s0, $0x11  }
0xbe: {  	s0 =	sor.u32 s0, s1  }
0xbf: {  	s0 =	sadd.s32 $0x8F2B, s0  }
0xc0: {  	[sflag:s0] =	ssyncadd.remote.s32 $0x1  }
0xc1: {  	_ =	sfence.sel $0xFFFF  }
0xc2: {  	[dreg:$0x0] =	wrdreg $0xFFFFFFFF;
	(pc) =	sbr.abs _section_cstart, $3  }
0xc3: {  	[dreg:$0x1] =	wrdreg $0xFFFFFFFF  }
0xc4: {  	_ =	task.clear_ibuf [dreg:s6], $0x2FFFF;
	_ =	strace $0x9FFFFFFF  }
0xc5: {  	(tm) =	ssettm $0x7FFFFFFF  }
tec
execute0_lowered:
.L_overlay_start_1:
0x0: {  	(tag) =	ssettag $0x1  }
0x1: {  	s4 =	rddreg [dreg:$0x0]  }
0x2: {  	s2 =	rddreg [dreg:$0x1]  }
0x3: {  	s5 =	rddreg [dreg:$0x2]  }
0x4: {  	s7 =	rddreg [dreg:$0x3];
	s0 =	stileid.u32  }
0x5: {  	s3 =	rddreg [dreg:$0x4];
	s8 =	smul.u32 $0x4E20, s0  }
0x6: {  	s6 =	rddreg [dreg:$0x5];
	s9 =	simm.s32 $0x0  }
0x7: {  	[smem:$0x7FF] =	sst s9;
	s8 =	sshrl.u32 s8, $0x3  }
0x8: {  	s1 =	rddreg [dreg:$0x6];
	_ =	strace $0x80000047;
	s10 =	sadd.s32 s8, s4  }
0x9: {  	_ =	strace $0x80000048;
	s11 =	sadd.s32 $0x2200, s10  }
0xa: {  	[tilespmem:s9], [sflag:$0x1] =	stream.linear.gather [hbm4b:s11+s9], $0x4E20, $0x200038;
	[tilespmem:$0x19500] =	vst v63  }
0xb: {  	s23 =	simm.s32 $0x4E80;
	s24 =	simm.s32 $0x2;
	s10 =	sadd.s32 $0xBE40, s10  }
0xc: {  	[tilespmem:s23], [sflag:$0x2] =	stream.linear.gather [hbm4b:s10+s9], $0x4E20, $0x200038;
	[tilespmem:$0x19500] =	vst v63  }
0xd: {  	_ =	swait.ge [sflag:s24], $0x4E20  }
0xe: {  	[sflag:s24] =	ssyncset.done $0x0  }
0xf: {  	s25 =	simm.s32 $0x9D00;
	s2 =	sadd.s32 s2, s8;
	[sflag:s24] =	ssyncadd.s32 $0xFFFFB1E0  }
0x10: {  	[tilespmem:s25], [sflag:$0x2] =	stream.linear.gather [hbm4b:s2+s9], $0x4E20, $0x200038;
	[tilespmem:$0x19500] =	vst v63  }
0x11: {  	_ =	swait.ge [sflag:s24], $0x4E20  }
0x12: {  	[sflag:s24] =	ssyncset.done $0x0  }
0x13: {  	s26 =	simm.s32 $0xEB80;
	[sflag:s24] =	ssyncadd.s32 $0xFFFFB1E0  }
0x14: {  	[tilespmem:s26], [sflag:$0x2] =	stream.linear.gather [hbm4b:s5+s9], $0x3000, $0x200038;
	[tilespmem:$0x19500] =	vst v63  }
0x15: {  	_ =	swait.ge [sflag:s24], $0x3000  }
0x16: {  	[sflag:s24] =	ssyncset.done $0x0  }
0x17: {  	s28 =	simm.s32 $0x11B80;
	[sflag:s24] =	ssyncadd.s32 $0xFFFFD000  }
0x18: {  	[tilespmem:s28], [sflag:$0x2] =	stream.linear.gather [hbm4b:s5+s9], $0x3000, $0x200038;
	[tilespmem:$0x19500] =	vst v63  }
0x19: {  	s30 =	simm.s32 $0x17B80;
	_ =	swait.ge [sflag:s24], $0x3000  }
0x1a: {  	p0 =	seq.s32 s0, $0x1;
	s2 =	smul.u32 $0x300, s0;
	[sflag:s24] =	ssyncset.done $0x0  }
.Ltmp0:
0x1b: {  	s29 =	sadd.s32 $0x15C00, s4;
	[sflag:s24] =	ssyncadd.s32 $0xFFFFD000;
	(pc) =	sbr.rel @p0 .LBB2_3-.Ltmp0, $4  }
0x1c: {  	[tilespmem:s30], [sflag:$0x2] =	stream.linear.gather [hbm4b:s29+s9], $0x80, $0x200038;
	[tilespmem:$0x19500] =	vst v63  }
0x1d: {  	_ =	swait.ge [sflag:s24], $0x80  }
0x1e: {  	s31 =	sshrl.u32 s2, $0x3;
	[sflag:s24] =	ssyncset.done $0x0  }
0x1f: {  	s4 =	sadd.s32 s31, s4;
	[sflag:s24] =	ssyncadd.s32 $0xFFFFFF80  }
0x20: {  	p0 =	sne.s32 s0, $0x0  }
.Ltmp1:
0x21: {  	_ = 	snop;
	(pc) =	sbr.rel @p0 .LBB2_5-.Ltmp1, $1  }
0x22: {  	_ =	sdelay $0x3  }
.Ltmp2:
0x23: {  	(pc) =	sbr.rel .LBB2_4-.Ltmp2, $3  }
0x24: {  	_ =	sdelay $0x1  }
0x25: {  	s8 =	sshrl.u32 s7, $0x3;
	s9 =	simm.s32 $0x1C02  }
0x26: {  	[spmem:s8], [sflag:s9] =	dma.local [hbm:s5], $0x600  }
.LBB2_3:
0x27: {  	s8 =	sshrl.u32 s3, $0x3;
	s9 =	simm.s32 $0x1C42  }
0x28: {  	[spmem:s8], [sflag:s9] =	dma.local [hbm:s5], $0x600  }
.LBB2_4:
0x29: {  	s5 =	simm.s32 $0x2  }
0x2a: {  	_ =	swait.ge [sflag:s5], $0x600  }
0x2b: {  	[sflag:s5] =	ssyncset.done $0x0  }
0x2c: {  	[sflag:s5] =	ssyncadd.s32 $0xFFFFFA00  }
.LBB2_5:
0x2d: {  	_ =	strace $0x90000048  }
0x2e: {  	s5 =	simm.s32 $0x9D40;
	_ =	strace $0x80000049  }
0x2f: {  	v0 =	vld [tilespmem:s5+$0x30]  }
0x30: {  	v1 =	vld [tilespmem:s5+$0xFFFFFFD0]  }
0x31: {  	v2 =	vld [tilespmem:s5+$0xFFFFFFE0]  }
0x32: {  	v3 =	vld [tilespmem:s5+$0xFFFFFFF0]  }
0x33: {  	v4 =	vld [tilespmem:s5+$0x0]  }
0x34: {  	v5 =	vld [tilespmem:s5+$0x10];
	v0 =	vmul.f32 $1.442695020e+00, v0  }
0x35: {  	v6 =	vld [tilespmem:s5+$0x20];
	v1 =	vmul.f32 $1.442695020e+00, v1  }
0x36: {  	v7 =	vld [tilespmem:s5+$0xFFFFFFC0];
	v2 =	vmul.f32 $1.442695020e+00, v2;
	(erf) = vpow2.f32 v0  }
0x37: {  	s10 =	simm.s32 $0x4EC0;
	v0 =	vmul.f32 $1.442695020e+00, v3;
	(erf) = vpow2.f32 v1  }
0x38: {  	v3 =	vld [tilespmem:s10+$0x30];
	v1 =	vmul.f32 $1.442695020e+00, v4;
	(erf) = vpow2.f32 v2  }
0x39: {  	v2 =	vmul.f32 $1.442695020e+00, v5;
	(erf) = vpow2.f32 v0  }
0x3a: {  	v4 =	vld [tilespmem:s10+$0xFFFFFFD0];
	v0 =	vmul.f32 $1.442695020e+00, v6;
	(erf) = vpow2.f32 v1  }
0x3b: {  	v5 =	vld [tilespmem:s10+$0xFFFFFFE0];
	v1 =	vmul.f32 $1.442695020e+00, v7;
	(erf) = vpow2.f32 v2  }
0x3c: {  	v2 =	vld [tilespmem:s10+$0xFFFFFFF0];
	(erf) = vpow2.f32 v0  }
0x3d: {  	v62 =	vld [tilespmem:s10+$0x0];
	(erf) = vpow2.f32 v1  }
0x3e: {  	v63 =	vld [tilespmem:s10+$0x10]  }
0x3f: {  	s11 =	simm.s32 $0xEB80;
	v0 =	vld [tilespmem:s10+$0xFFFFFFC0];
	v1 =	vpop (erf)  }
0x40: {  	[tilespmem:v3+s11+$0x0] =	vst.idx.add.f32.msk $0xffff, v1;
	v3 =	vpop (erf)  }
0x41: {  	v1 =	vld [tilespmem:s10+$0x20];
	v8 =	vpop (erf)  }
0x42: {  	[tilespmem:v4+s11+$0x0] =	vst.idx.add.f32.msk $0xffff, v3;
	v3 =	vpop (erf)  }
0x43: {  	[tilespmem:v5+s11+$0x0] =	vst.idx.add.f32.msk $0xffff, v8;
	v4 =	vpop (erf)  }
0x44: {  	[tilespmem:v2+s11+$0x0] =	vst.idx.add.f32.msk $0xffff, v3;
	v3 =	vpop (erf)  }
0x45: {  	s9 =	sadd.s32 s2, s7;
	s8 =	sadd.s32 s2, s6;
	s4 =	sadd.s32 $0x15E00, s4;
	[tilespmem:v62+s11+$0x0] =	vst.idx.add.f32.msk $0xffff, v4;
	v2 =	vpop (erf)  }
0x46: {  	s12 =	simm.s32 $0x0;
	s13 =	simm.s32 $0x9DC0;
	s5 =	sadd.s32 s2, s3;
	[tilespmem:v63+s11+$0x0] =	vst.idx.add.f32.msk $0xffff, v3;
	v3 =	vpop (erf)  }
.LBB2_6:
0x47: {  	v4 =	vld [tilespmem:s13+$0x30];
	s12 =	sadd.s32 $0x80, s12  }
0x48: {  	v5 =	vld [tilespmem:s13+$0xFFFFFFD0];
	p0 =	slt.u32 s12, $0x4D80  }
0x49: {  	v6 =	vld [tilespmem:s13+$0xFFFFFFE0]  }
0x4a: {  	v7 =	vld [tilespmem:s13+$0xFFFFFFF0]  }
0x4b: {  	v8 =	vld [tilespmem:s13+$0x0]  }
0x4c: {  	v9 =	vld [tilespmem:s13+$0x10];
	v4 =	vmul.f32 $1.442695020e+00, v4  }
0x4d: {  	v5 =	vmul.f32 $1.442695020e+00, v5;
	v10 =	vld [tilespmem:s13+$0x20]  }
0x4e: {  	v11 =	vld [tilespmem:s13+$0xFFFFFFC0];
	v6 =	vmul.f32 $1.442695020e+00, v6;
	(erf) = vpow2.f32 v4  }
0x4f: {  	s10 =	sadd.s32 $0x80, s10;
	v4 =	vmul.f32 $1.442695020e+00, v7;
	(erf) = vpow2.f32 v5;
	[tilespmem:v0+s11+$0x0] =	vst.idx.add.f32.msk $0xffff, v3  }
0x50: {  	v3 =	vmul.f32 $1.442695020e+00, v8;
	v5 =	vld [tilespmem:s10+$0x30];
	(erf) = vpow2.f32 v6  }
0x51: {  	v0 =	vld [tilespmem:s10+$0xFFFFFFC0];
	v6 =	vmul.f32 $1.442695020e+00, v9;
	(erf) = vpow2.f32 v4  }
0x52: {  	v4 =	vld [tilespmem:s10+$0xFFFFFFD0];
	v7 =	vmul.f32 $1.442695020e+00, v10;
	(erf) = vpow2.f32 v3  }
0x53: {  	v3 =	vmul.f32 $1.442695020e+00, v11;
	v8 =	vld [tilespmem:s10+$0xFFFFFFE0];
	(erf) = vpow2.f32 v6  }
0x54: {  	v6 =	vld [tilespmem:s10+$0xFFFFFFF0];
	(erf) = vpow2.f32 v7  }
0x55: {  	v7 =	vld [tilespmem:s10+$0x0];
	(erf) = vpow2.f32 v3  }
0x56: {  	v3 =	vld [tilespmem:s10+$0x10]  }
0x57: {  	v9 =	vld [tilespmem:s10+$0x20];
	v10 =	vpop (erf)  }
0x58: {  	[tilespmem:v5+s11+$0x0] =	vst.idx.add.f32.msk $0xffff, v10;
	v5 =	vpop (erf)  }
0x59: {  	v10 =	vpop (erf);
	[tilespmem:v1+s11+$0x0] =	vst.idx.add.f32.msk $0xffff, v2  }
.Ltmp3:
0x5a: {  	[tilespmem:v4+s11+$0x0] =	vst.idx.add.f32.msk $0xffff, v5;
	v1 =	vpop (erf);
	(pc) =	sbr.rel @p0 .LBB2_6-.Ltmp3, $4  }
0x5b: {  	[tilespmem:v8+s11+$0x0] =	vst.idx.add.f32.msk $0xffff, v10;
	v2 =	vpop (erf)  }
0x5c: {  	[tilespmem:v6+s11+$0x0] =	vst.idx.add.f32.msk $0xffff, v1;
	v4 =	vpop (erf);
	v1 =	vmov v9  }
0x5d: {  	[tilespmem:v7+s11+$0x0] =	vst.idx.add.f32.msk $0xffff, v2;
	v2 =	vpop (erf)  }
0x5e: {  	s13 =	sadd.s32 $0x80, s13;
	[tilespmem:v3+s11+$0x0] =	vst.idx.add.f32.msk $0xffff, v4;
	v3 =	vpop (erf)  }
0x5f: {  	_ =	sdelay $0x3  }
0x60: {  	[tilespmem:v0+s11+$0x0] =	vst.idx.add.f32.msk $0xffff, v3;
	s10 =	simm.s32 $0x4DF0  }
0x61: {  	[tilespmem:v1+s11+$0x0] =	vst.idx.add.f32.msk $0xffff, v2;
	s11 =	simm.s32 $0x9C80;
	s12 =	simm.s32 $0xEB00;
	s13 =	simm.s32 $0xEB80  }
.LBB2_8:
0x62: {  	v0 =	vld [tilespmem:s12+$0x0];
	_ =	sdelay $0x4  }
0x63: {  	v0 =	vmul.f32 $1.442695020e+00, v0;
	_ =	sdelay $0x1  }
0x64: {  	(erf) = vpow2.f32 v0;
	_ =	sdelay $0x1  }
0x65: {  	v63 =	vld [tilespmem:s11+$0x0];
	_ =	sdelay $0x1  }
0x66: {  	s10 =	sadd.s32 $0x10, s10  }
0x67: {  	p0 =	slt.u32 s10, $0x4E10  }
.Ltmp4:
0x68: {  	_ = 	snop;
	(pc) =	sbr.rel @p0 .LBB2_8-.Ltmp4, $3  }
0x69: {  	_ =	sdelay $0x1  }
0x6a: {  	v1 =	vpop (erf)  }
0x6b: {  	s11 =	sadd.s32 $0x10, s11;
	s12 =	sadd.s32 $0x10, s12;
	[tilespmem:v63+s13+$0x0] =	vst.idx.add.f32.msk $0xffff, v1  }
0x6c: {  	_ =	strace $0x90000049  }
0x6d: {  	s10 =	simm.s32 $0x60;
	s11 =	simm.s32 $0x17B80;
	_ =	strace $0x8000004A  }
0x6e: {  	s12 =	simm.s32 $0xEB80;
	s26 =	simm.s32 $0x2;
	[bflag:$0x0] =	sbarrier.arrive $0xFFFF  }
0x6f: {  	[spmem:s7] =	stream.indirect.scatter.add.f32 [tilespmem:s12], [sflag:$0x2], $0x80, s11, s10, $0x2000b8;
	[tilespmem:$0x19500] =	vst v63  }
0x70: {  	_ =	swait.ge [sflag:s26], $0x3000  }
0x71: {  	[sflag:s26] =	ssyncset.done $0x0  }
0x72: {  	[sflag:s26] =	ssyncadd.s32 $0xFFFFD000  }
0x73: {  	[bflag:$0x0] =	sbarrier.arrive $0xFFFF  }
0x74: {  	_ =	strace $0x9000004A  }
0x75: {  	s28 =	simm.s32 $0x17C00;
	_ =	strace $0x8000004B  }
0x76: {  	[tilespmem:s28], [sflag:$0x2] =	stream.linear.gather [spmem:s9], $0x300, $0x200038;
	[tilespmem:$0x19500] =	vst v63  }
0x77: {  	_ =	swait.ge [sflag:s26], $0x300  }
0x78: {  	s29 =	simm.s32 $0x0;
	[sflag:s26] =	ssyncset.done $0x0  }
0x79: {  	s30 =	sand.u32 $0x3F0, s29;
	[sflag:s26] =	ssyncadd.s32 $0xFFFFFD00  }
0x7a: {  	v1 =	vld [tilespmem:s30+$0x17C00];
	_ =	sdelay $0x4  }
0x7b: {  	(erf) = vrcp.f32 v1;
	_ =	sdelay $0x8  }
0x7c: {  	v2 =	vpop (erf)  }
0x7d: {  	v0 =	vimm.f32 $1.000000000e+00;
	s7 =	simm.s32 $0x18000;
	vm0 =	vgt.f32 v1, $0.0e+00;
	v2 =	vmul.f32 $7.071067690e-01, v2  }
0x7e: {  	s31 =	simm.s32 $0x18300;
	s13 =	simm.s32 $0x20;
	s11 =	simm.s32 $0x18600;
	[tilespmem:s7+$0x0] =	vst v1;
	v3 =	vsel vm0, $0x3F3504F3, v0  }
0x7f: {  	s12 =	simm.s32 $0x10;
	s10 =	simm.s32 $0x18310;
	s9 =	simm.s32 $0x18610;
	[tilespmem:s31+$0x0] =	vst v3;
	v1 =	vnsel vm0, $0x0, v2  }
.LBB2_10:
0x80: {  	s14 =	sand.u32 $0x3F0, s12;
	s7 =	sadd.s32 $0x10, s7  }
0x81: {  	[tilespmem:s11+$0x0] =	vst v1;
	s12 =	smov.u32 s13;
	s15 =	sadd.s32 $0x10, s13;
	s11 =	smov.u32 s9  }
0x82: {  	p0 =	sne.s32 s13, $0x2F0;
	v1 =	vld [tilespmem:s14+$0x17C00];
	_ =	sdelay $0x4  }
0x83: {  	(erf) = vrcp.f32 v1;
	_ =	sdelay $0x7  }
.Ltmp5:
0x84: {  	(pc) =	sbr.rel @p0 .LBB2_10-.Ltmp5, $4  }
0x85: {  	v2 =	vpop (erf)  }
0x86: {  	vm0 =	vgt.f32 v1, $0.0e+00;
	v2 =	vmul.f32 $7.071067690e-01, v2  }
0x87: {  	v3 =	vsel vm0, $0x3F3504F3, v0;
	[tilespmem:s7+$0x0] =	vst v1  }
0x88: {  	s9 =	sadd.s32 $0x10, s9;
	s13 =	smov.u32 s15;
	[tilespmem:s10+$0x0] =	vst v3;
	v1 =	vnsel vm0, $0x0, v2;
	s10 =	sadd.s32 $0x10, s10  }
0x89: {  	s12 =	sand.u32 $0x3F0, s12;
	[tilespmem:s11+$0x0] =	vst v1  }
0x8a: {  	v1 =	vld [tilespmem:s12+$0x17C00];
	_ =	sdelay $0x4  }
0x8b: {  	(erf) = vrcp.f32 v1;
	_ =	sdelay $0x8  }
0x8c: {  	v2 =	vpop (erf)  }
0x8d: {  	s7 =	sadd.s32 $0x10, s7;
	vm0 =	vgt.f32 v1, $0.0e+00;
	v2 =	vmul.f32 $7.071067690e-01, v2  }
0x8e: {  	[tilespmem:s7+$0x0] =	vst v1;
	v0 =	vsel vm0, $0x3F3504F3, v0  }
0x8f: {  	[tilespmem:s10+$0x0] =	vst v0;
	v0 =	vnsel vm0, $0x0, v2  }
0x90: {  	s28 =	simm.s32 $0x18600;
	s29 =	simm.s32 $0x2;
	[tilespmem:s9+$0x0] =	vst v0  }
0x91: {  	[spmem:s8] =	stream.linear.scatter [tilespmem:s28], [sflag:$0x2], $0x300, $0x200038;
	[tilespmem:$0x19500] =	vst v63  }
0x92: {  	_ =	swait.ge [sflag:s29], $0x300  }
0x93: {  	[sflag:s29] =	ssyncset.done $0x0  }
0x94: {  	[sflag:s29] =	ssyncadd.s32 $0xFFFFFD00  }
0x95: {  	[bflag:$0x0] =	sbarrier.arrive $0xFFFF  }
0x96: {  	_ =	strace $0x9000004B  }
0x97: {  	s7 =	simm.s32 $0x14B80;
	_ =	strace $0x8000004C  }
0x98: {  	[tilespmem:s7], [sflag:$0x2] =	stream.linear.gather [spmem:s6], $0x3000, $0x200038;
	[tilespmem:$0x19500] =	vst v63  }
0x99: {  	_ =	swait.ge [sflag:s29], $0x3000  }
0x9a: {  	[sflag:s29] =	ssyncset.done $0x0  }
0x9b: {  	s30 =	simm.s32 $0x1;
	[sflag:s29] =	ssyncadd.s32 $0xFFFFD000  }
0x9c: {  	_ =	swait.ge [sflag:s30], $0x4E20  }
0x9d: {  	[sflag:s30] =	ssyncset.done $0x0  }
0x9e: {  	[sflag:s30] =	ssyncadd.s32 $0xFFFFB1E0  }
0x9f: {  	_ =	strace $0x9000004C  }
0xa0: {  	s31 =	simm.s32 $0x9D40;
	_ =	strace $0x8000004D  }
0xa1: {  	v0 =	vld [tilespmem:s31+$0x30]  }
0xa2: {  	s6 =	simm.s32 $0x4EC0;
	v1 =	vld [tilespmem:s31+$0xFFFFFFC0]  }
0xa3: {  	v2 =	vld [tilespmem:s6+$0x30]  }
0xa4: {  	v3 =	vld [tilespmem:s31+$0xFFFFFFD0]  }
0xa5: {  	v4 =	vld [tilespmem:s31+$0xFFFFFFE0]  }
0xa6: {  	v5 =	vld [tilespmem:s31+$0xFFFFFFF0]  }
0xa7: {  	v6 =	vld [tilespmem:s31+$0x0]  }
0xa8: {  	s8 =	simm.s32 $0x40;
	v7 =	vld [tilespmem:s31+$0x20];
	v0 =	vmul.f32 $1.442695020e+00, v0  }
0xa9: {  	v8 =	vld [tilespmem:s8+$0x30]  }
0xaa: {  	v9 =	vld [tilespmem:s6+$0xFFFFFFD0];
	(erf) = vpow2.f32 v0  }
0xab: {  	v10 =	vld [tilespmem:s6+$0xFFFFFFE0]  }
0xac: {  	v11 =	vld [tilespmem:s6+$0xFFFFFFF0]  }
0xad: {  	v12 =	vld [tilespmem:s6+$0xFFFFFFC0]  }
0xae: {  	v13 =	vld [tilespmem:s6+$0x0]  }
0xaf: {  	v1 =	vmul.f32 $1.442695020e+00, v1;
	v2 =	vld.idx.msk [tilespmem:v2+s7+$0x0], $0xffff  }
0xb0: {  	v50 =	vld [tilespmem:s6+$0x10];
	v3 =	vmul.f32 $1.442695020e+00, v3  }
0xb1: {  	v55 =	vld [tilespmem:s8+$0xFFFFFFE0];
	(erf) = vpow2.f32 v1  }
0xb2: {  	v0 =	vld [tilespmem:s31+$0x10];
	(erf) = vpow2.f32 v3  }
0xb3: {  	v57 =	vld [tilespmem:s8+$0xFFFFFFF0];
	v14 =	vpop (erf)  }
0xb4: {  	v58 =	vld [tilespmem:s8+$0x0];
	v2 =	vmul.f32 v14, v2  }
0xb5: {  	s9 =	simm.s32 $0x11B80;
	v1 =	vld [tilespmem:s6+$0x20];
	v3 =	vmul.f32 $1.442695020e+00, v4  }
0xb6: {  	v5 =	vmul.f32 $1.442695020e+00, v5;
	v6 =	vmul.f32 $1.442695020e+00, v6;
	[tilespmem:v8+s9+$0x0] =	vst.idx.add.f32.msk $0xffff, v2  }
0xb7: {  	(erf) = vpow2.f32 v3;
	v0 =	vmul.f32 $1.442695020e+00, v0;
	v2 =	vld.idx.msk [tilespmem:v9+s7+$0x0], $0xffff  }
0xb8: {  	v3 =	vld [tilespmem:s8+$0xFFFFFFD0];
	(erf) = vpow2.f32 v5  }
0xb9: {  	v59 =	vld [tilespmem:s8+$0x20];
	v7 =	vmul.f32 $1.442695020e+00, v7;
	(erf) = vpow2.f32 v6  }
0xba: {  	v51 =	vld.idx.msk [tilespmem:v10+s7+$0x0], $0xffff;
	(erf) = vpow2.f32 v0;
	v56 =	vpop (erf)  }
0xbb: {  	v52 =	vld.idx.msk [tilespmem:v11+s7+$0x0], $0xffff;
	(erf) = vpow2.f32 v7;
	v0 =	vpop (erf)  }
0xbc: {  	v53 =	vld.idx.msk [tilespmem:v13+s7+$0x0], $0xffff;
	v0 =	vmul.f32 v0, v2  }
0xbd: {  	v54 =	vld.idx.msk [tilespmem:v50+s7+$0x0], $0xffff  }
0xbe: {  	v2 =	vld [tilespmem:s8+$0x10]  }
0xbf: {  	v1 =	vld.idx.msk [tilespmem:v1+s7+$0x0], $0xffff  }
0xc0: {  	[tilespmem:v3+s9+$0x0] =	vst.idx.add.f32.msk $0xffff, v0;
	v0 =	vpop (erf)  }
0xc1: {  	v3 =	vld.idx.msk [tilespmem:v12+s7+$0x0], $0xffff;
	v60 =	vpop (erf);
	v4 =	vmul.f32 v0, v51  }
0xc2: {  	v0 =	vld [tilespmem:s8+$0xFFFFFFC0];
	v61 =	vpop (erf);
	v8 =	vmul.f32 v60, v52  }
0xc3: {  	v5 =	vmul.f32 v61, v53;
	v62 =	vpop (erf);
	[tilespmem:v55+s9+$0x0] =	vst.idx.add.f32.msk $0xffff, v4  }
0xc4: {  	v63 =	vpop (erf);
	v6 =	vmul.f32 v62, v54;
	[tilespmem:v57+s9+$0x0] =	vst.idx.add.f32.msk $0xffff, v8  }
0xc5: {  	v4 =	vmul.f32 v63, v1;
	[tilespmem:v58+s9+$0x0] =	vst.idx.add.f32.msk $0xffff, v5  }
0xc6: {  	[tilespmem:v2+s9+$0x0] =	vst.idx.add.f32.msk $0xffff, v6  }
0xc7: {  	s11 =	simm.s32 $0x9DC0;
	s10 =	simm.s32 $0x0;
	v1 =	vmul.f32 v56, v3;
	[tilespmem:v59+s9+$0x0] =	vst.idx.add.f32.msk $0xffff, v4  }
.LBB2_12:
0xc8: {  	v2 =	vld [tilespmem:s11+$0x30];
	s10 =	sadd.s32 $0x80, s10  }
0xc9: {  	v3 =	vld [tilespmem:s11+$0xFFFFFFC0];
	p0 =	slt.u32 s10, $0x4D80  }
0xca: {  	s6 =	sadd.s32 $0x80, s6;
	v4 =	vld [tilespmem:s11+$0xFFFFFFD0]  }
0xcb: {  	v5 =	vld [tilespmem:s6+$0x30]  }
0xcc: {  	v6 =	vld [tilespmem:s11+$0xFFFFFFE0]  }
0xcd: {  	v7 =	vld [tilespmem:s11+$0xFFFFFFF0];
	v2 =	vmul.f32 $1.442695020e+00, v2  }
0xce: {  	v3 =	vmul.f32 $1.442695020e+00, v3;
	v8 =	vld [tilespmem:s11+$0x0]  }
0xcf: {  	v4 =	vmul.f32 $1.442695020e+00, v4;
	v9 =	vld [tilespmem:s11+$0x10];
	(erf) = vpow2.f32 v2  }
0xd0: {  	v2 =	vld [tilespmem:s11+$0x20];
	(erf) = vpow2.f32 v3  }
0xd1: {  	s8 =	sadd.s32 $0x80, s8;
	v3 =	vld [tilespmem:s6+$0xFFFFFFC0];
	v6 =	vmul.f32 $1.442695020e+00, v6;
	(erf) = vpow2.f32 v4  }
0xd2: {  	v4 =	vmul.f32 $1.442695020e+00, v7;
	v7 =	vld [tilespmem:s8+$0x30]  }
0xd3: {  	v8 =	vmul.f32 $1.442695020e+00, v8;
	v5 =	vld.idx.msk [tilespmem:v5+s7+$0x0], $0xffff;
	(erf) = vpow2.f32 v6  }
0xd4: {  	v6 =	vld [tilespmem:s6+$0xFFFFFFD0];
	v9 =	vmul.f32 $1.442695020e+00, v9;
	(erf) = vpow2.f32 v4  }
0xd5: {  	v4 =	vld [tilespmem:s6+$0xFFFFFFE0];
	v2 =	vmul.f32 $1.442695020e+00, v2;
	(erf) = vpow2.f32 v8  }
0xd6: {  	v8 =	vld [tilespmem:s6+$0xFFFFFFF0];
	(erf) = vpow2.f32 v9  }
0xd7: {  	v9 =	vld [tilespmem:s6+$0x0];
	(erf) = vpow2.f32 v2  }
0xd8: {  	v2 =	vld [tilespmem:s6+$0x10];
	v10 =	vpop (erf)  }
0xd9: {  	v11 =	vld [tilespmem:s6+$0x20];
	v5 =	vmul.f32 v10, v5;
	v10 =	vpop (erf)  }
0xda: {  	v3 =	vld.idx.msk [tilespmem:v3+s7+$0x0], $0xffff;
	v12 =	vpop (erf)  }
0xdb: {  	[tilespmem:v7+s9+$0x0] =	vst.idx.add.f32.msk $0xffff, v5  }
0xdc: {  	v5 =	vld.idx.msk [tilespmem:v6+s7+$0x0], $0xffff;
	v6 =	vpop (erf)  }
0xdd: {  	v4 =	vld.idx.msk [tilespmem:v4+s7+$0x0], $0xffff;
	v7 =	vpop (erf)  }
0xde: {  	v8 =	vld.idx.msk [tilespmem:v8+s7+$0x0], $0xffff;
	v13 =	vpop (erf)  }
0xdf: {  	v9 =	vld.idx.msk [tilespmem:v9+s7+$0x0], $0xffff;
	v14 =	vpop (erf)  }
0xe0: {  	v3 =	vmul.f32 v10, v3;
	v2 =	vld.idx.msk [tilespmem:v2+s7+$0x0], $0xffff;
	v10 =	vpop (erf)  }
0xe1: {  	v11 =	vld.idx.msk [tilespmem:v11+s7+$0x0], $0xffff  }
0xe2: {  	v5 =	vmul.f32 v12, v5;
	v15 =	vld [tilespmem:s8+$0xFFFFFFD0]  }
0xe3: {  	v4 =	vmul.f32 v6, v4;
	v12 =	vld [tilespmem:s8+$0xFFFFFFE0]  }
0xe4: {  	v7 =	vmul.f32 v7, v8;
	v6 =	vld [tilespmem:s8+$0xFFFFFFF0]  }
0xe5: {  	v9 =	vmul.f32 v13, v9;
	v8 =	vld [tilespmem:s8+$0x0]  }
0xe6: {  	v2 =	vmul.f32 v14, v2;
	v13 =	vld [tilespmem:s8+$0x10]  }
0xe7: {  	v10 =	vmul.f32 v10, v11;
	v14 =	vld [tilespmem:s8+$0x20]  }
0xe8: {  	v11 =	vld [tilespmem:s8+$0xFFFFFFC0]  }
0xe9: {  	[tilespmem:v0+s9+$0x0] =	vst.idx.add.f32.msk $0xffff, v1;
	v1 =	vmov v3  }
0xea: {  	[tilespmem:v15+s9+$0x0] =	vst.idx.add.f32.msk $0xffff, v5  }
.Ltmp6:
0xeb: {  	[tilespmem:v12+s9+$0x0] =	vst.idx.add.f32.msk $0xffff, v4;
	(pc) =	sbr.rel @p0 .LBB2_12-.Ltmp6, $4  }
0xec: {  	[tilespmem:v6+s9+$0x0] =	vst.idx.add.f32.msk $0xffff, v7  }
0xed: {  	[tilespmem:v8+s9+$0x0] =	vst.idx.add.f32.msk $0xffff, v9;
	v0 =	vmov v11  }
0xee: {  	[tilespmem:v13+s9+$0x0] =	vst.idx.add.f32.msk $0xffff, v2  }
0xef: {  	s11 =	sadd.s32 $0x80, s11;
	[tilespmem:v14+s9+$0x0] =	vst.idx.add.f32.msk $0xffff, v10  }
0xf0: {  	_ =	sdelay $0x2  }
0xf1: {  	s6 =	simm.s32 $0x4DF0;
	s7 =	simm.s32 $0xEB00;
	s8 =	simm.s32 $0x9C80  }
0xf2: {  	[tilespmem:v0+s9+$0x0] =	vst.idx.add.f32.msk $0xffff, v1;
	s9 =	simm.s32 $0x4E00;
	s10 =	simm.s32 $0x14B80;
	s11 =	simm.s32 $0x11B80  }
.LBB2_14:
0xf3: {  	v0 =	vld [tilespmem:s7+$0x0];
	_ =	sdelay $0x3  }
0xf4: {  	v1 =	vld [tilespmem:s8+$0x0]  }
0xf5: {  	v0 =	vmul.f32 $1.442695020e+00, v0;
	_ =	sdelay $0x1  }
0xf6: {  	(erf) = vpow2.f32 v0;
	_ =	sdelay $0x3  }
0xf7: {  	v63 =	vld [tilespmem:s9+$0x0]  }
0xf8: {  	v1 =	vld.idx.msk [tilespmem:v1+s10+$0x0], $0xffff  }
0xf9: {  	s6 =	sadd.s32 $0x10, s6  }
0xfa: {  	p0 =	slt.u32 s6, $0x4E10  }
.Ltmp7:
0xfb: {  	_ = 	snop;
	(pc) =	sbr.rel @p0 .LBB2_14-.Ltmp7, $3  }
0xfc: {  	v2 =	vpop (erf)  }
0xfd: {  	v1 =	vmul.f32 v2, v1;
	_ =	sdelay $0x1  }
0xfe: {  	s7 =	sadd.s32 $0x10, s7;
	s8 =	sadd.s32 $0x10, s8;
	s9 =	sadd.s32 $0x10, s9;
	[tilespmem:v63+s11+$0x0] =	vst.idx.add.f32.msk $0xffff, v1  }
0xff: {  	_ =	strace $0x9000004D  }
0x100: {  	s6 =	simm.s32 $0x60;
	s7 =	simm.s32 $0x17B80;
	_ =	strace $0x8000004E  }
0x101: {  	s8 =	simm.s32 $0x11B80;
	s24 =	simm.s32 $0x2;
	[bflag:$0x0] =	sbarrier.arrive $0xFFFF  }
0x102: {  	[spmem:s3] =	stream.indirect.scatter.add.f32 [tilespmem:s8], [sflag:$0x2], $0x80, s7, s6, $0x2000b8;
	[tilespmem:$0x19500] =	vst v63  }
0x103: {  	_ =	swait.ge [sflag:s24], $0x3000  }
0x104: {  	[sflag:s24] =	ssyncset.done $0x0  }
0x105: {  	[sflag:s24] =	ssyncadd.s32 $0xFFFFD000  }
0x106: {  	[bflag:$0x0] =	sbarrier.arrive $0xFFFF  }
0x107: {  	_ =	strace $0x9000004E  }
0x108: {  	s25 =	simm.s32 $0x17C00;
	_ =	strace $0x8000004F  }
0x109: {  	[tilespmem:s25], [sflag:$0x2] =	stream.linear.gather [spmem:s5], $0x300, $0x200038;
	[tilespmem:$0x19500] =	vst v63  }
0x10a: {  	_ =	swait.ge [sflag:s24], $0x300  }
0x10b: {  	[sflag:s24] =	ssyncset.done $0x0  }
0x10c: {  	s26 =	simm.s32 $0x0;
	s28 =	simm.s32 $0x18300;
	[sflag:s24] =	ssyncadd.s32 $0xFFFFFD00  }
0x10d: {  	s3 =	sand.u32 $0x3F0, s26;
	v1 =	vld [tilespmem:s28+$0x0]  }
0x10e: {  	s29 =	simm.s32 $0x18000;
	v2 =	vld [tilespmem:s3+$0x17C00]  }
0x10f: {  	v3 =	vld [tilespmem:s29+$0x0];
	_ =	sdelay $0x4  }
0x110: {  	v0 =	vimm.f32 $1.000000000e+00;
	vm0 =	vgt.f32 v3, $0.0e+00;
	v1 =	vmul.f32 v1, v2  }
0x111: {  	v2 =	vsel vm0, $0x3F000000, v0  }
0x112: {  	s30 =	sadd.s32 $0x0, s2;
	v1 =	vadd.f32 v2, v1  }
0x113: {  	p0 =	slt.u32 s30, $0x2710  }
0x114: {  	s3 =	simm.s32 $0x18900;
	v1 =	vpsel !p0, $0x0, v1  }
0x115: {  	s6 =	simm.s32 $0x18310;
	s5 =	simm.s32 $0x10;
	[tilespmem:s3+$0x0] =	vst v1  }
0x116: {  	s31 =	sand.u32 $0x3F0, s5;
	v1 =	vld [tilespmem:s6+$0x0]  }
0x117: {  	s8 =	simm.s32 $0x20;
	s7 =	simm.s32 $0x18010;
	v2 =	vld [tilespmem:s31+$0x17C00]  }
.LBB2_16:
0x118: {  	p0 =	sne.s32 s8, $0x2F0;
	v3 =	vld [tilespmem:s7+$0x0];
	_ =	sdelay $0x4  }
0x119: {  	v1 =	vmul.f32 v1, v2;
	vm0 =	vgt.f32 v3, $0.0e+00  }
0x11a: {  	v2 =	vsel vm0, $0x3F000000, v0  }
0x11b: {  	s9 =	sadd.s32 s5, s2;
	s5 =	smov.u32 s8;
	v1 =	vadd.f32 v2, v1  }
.Ltmp8:
0x11c: {  	p1 =	slt.u32 s9, $0x2710;
	(pc) =	sbr.rel @p0 .LBB2_16-.Ltmp8, $4  }
0x11d: {  	s3 =	sadd.s32 $0x10, s3;
	v1 =	vpsel !p1, $0x0, v1  }
0x11e: {  	s6 =	sadd.s32 $0x10, s6;
	[tilespmem:s3+$0x0] =	vst v1  }
0x11f: {  	s9 =	sand.u32 $0x3F0, s8;
	v1 =	vld [tilespmem:s6+$0x0]  }
0x120: {  	s7 =	sadd.s32 $0x10, s7;
	s8 =	sadd.s32 $0x10, s8;
	v2 =	vld [tilespmem:s9+$0x17C00]  }
0x121: {  	v3 =	vld [tilespmem:s7+$0x0];
	_ =	sdelay $0x4  }
0x122: {  	v1 =	vmul.f32 v1, v2;
	vm0 =	vgt.f32 v3, $0.0e+00  }
0x123: {  	v0 =	vsel vm0, $0x3F000000, v0  }
0x124: {  	s2 =	sadd.s32 s5, s2;
	v0 =	vadd.f32 v0, v1  }
0x125: {  	p0 =	slt.u32 s2, $0x2710  }
0x126: {  	s28 =	sadd.s32 $0x10, s3;
	v0 =	vpsel !p0, $0x0, v0  }
0x127: {  	s29 =	simm.s32 $0x0;
	s30 =	simm.s32 $0x18900;
	s31 =	simm.s32 $0x2;
	[tilespmem:s28+$0x0] =	vst v0  }
0x128: {  	[hbm4b:s4+s29] =	stream.linear.scatter [tilespmem:s30], [sflag:$0x2], $0x300, $0x200038;
	[tilespmem:$0x19500] =	vst v63  }
0x129: {  	_ =	swait.ge [sflag:s31], $0x300  }
0x12a: {  	[sflag:s31] =	ssyncset.done $0x0  }
0x12b: {  	[sflag:s31] =	ssyncadd.s32 $0xFFFFFD00  }
0x12c: {  	_ =	strace $0x9000004F  }
0x12d: {  	_ =	sfence.sel $0x180000  }
0x12e: {  	[bflag:$0x0] =	sbarrier.arrive $0xFFFF  }
0x12f: {  	p0 =	sne.s32 s0, $0x0;
	_ =	strace $0x90000047  }
0x130: {  	s0 =	sadd.s32 @!p0 $0x100000, s1;
	[bflag:$0x2] =	sbarrier.arrive $0xFFFF  }
0x131: {  	[sflag:s0] =	ssyncadd.tile.s32 @!p0 $0x1;
	_ =	shalt  }
.Lfunc_end2:
_tile_overlayer_lowered:
.L_overlay_start_2:
0x132: {  	(tag) =	ssettag $0x2  }
0x133: {  	s0 =	rddreg [dreg:$0x0];
	s2 =	stileid.u32  }
0x134: {  	s1 =	rddreg [dreg:$0x1];
	p0 =	sne.s32 s2, $0x0  }
0x135: {  	s3 =	rddreg [dreg:$0x2];
	[bflag:$0x3] =	sbarrier.arrive $0xFFFF;
	s2 =	simm.s32 @!p0 $0x1C02  }
0x136: {  	[timem:s3], [sflag:s2] =	dma.local @!p0 [hbm:s0], s1  }
0x137: {  	s0 =	simm.s32 @!p0 $0x2  }
0x138: {  	_ =	swait.ge @!p0 [sflag:s0], s1  }
0x139: {  	s1 =	ssub.s32 @!p0 $0x0, s1;
	[sflag:s0] =	ssyncset.done @!p0 $0x0  }
0x13a: {  	[sflag:s0] =	ssyncadd.s32 @!p0 s1  }
0x13b: {  	[bflag:$0x3] =	sbarrier.arrive $0xFFFF  }
0x13c: {  	_ =	shalt  }

</sc_bundles>
